<compile_context>
chip_gen: v7x
topology: tpu7x:2x2x1
jax: 0.10.2.dev20260603
libtpu: 0.0.44.dev20260713+nightly
codegen_flags: <defaults>
</compile_context>

<pallas_src>
import jax
import jax.numpy as jnp
from jax import lax
from jax.experimental import pallas as pl
from jax.experimental.pallas import tpu as pltpu
from jax.experimental.pallas import tpu_sc as plsc

_NT = 16
_NC = 2
_K = 128
_GA = 0.044715
_B2N = -1.5957691216057308
_BG = _B2N * _GA


def _node_body(a_ref, b_ref, Ws_ref, bs_ref, Wd_ref, bd_ref, oxs_ref, oxd_ref):
    oxs_ref[...] = jnp.dot(a_ref[...], Ws_ref[...],
                           preferred_element_type=jnp.float32) + bs_ref[...]
    oxd_ref[...] = jnp.dot(b_ref[...], Wd_ref[...],
                           preferred_element_type=jnp.float32) + bd_ref[...]


def _edge_body(ea_ref, W1_ref, b1_ref, W2_ref, b2_ref, oe_ref):
    h = jnp.maximum(jnp.dot(ea_ref[...], W1_ref[...],
                            preferred_element_type=jnp.float32) + b1_ref[...], 0.0)
    oe_ref[...] = jnp.dot(h, W2_ref[...],
                          preferred_element_type=jnp.float32) + b2_ref[...]


def _mlp_body(pk_ref, xd_ref, W1_ref, b1_ref, W2_ref, b2_ref, out_ref):
    a = pk_ref[0] + pk_ref[1] + xd_ref[...]
    h = jnp.maximum(jnp.dot(a, W1_ref[...],
                            preferred_element_type=jnp.float32) + b1_ref[...], 0.0)
    out_ref[...] = jnp.dot(h, W2_ref[...],
                           preferred_element_type=jnp.float32) + b2_ref[...]


def _sc_body(xs_hbm, e_hbm, src_hbm, dst_hbm, w_hbm, out_hbm,
             agg_sh, srcb, dstb, wb, eb, gb,
             sem_src, sem_dst, sem_ew, sem_g):
    c = lax.axis_index("c")
    s = lax.axis_index("s")
    n = agg_sh.shape[0]
    rpt = n // _NT
    r0 = s * rpt
    epc = ((src_hbm.shape[0] - 2) * _K) // _NC
    ept = epc // _NT
    nch = ept // _K
    slab0 = c * (epc // _K) + s * nch
    base0 = c * epc + s * ept
    wrow0 = c * (epc // 8) + s * (ept // 8)

    def zrow(r, carry):
        z = jnp.zeros((16,), jnp.float32)
        for ccol in range(8):
            gb[r, pl.ds(ccol * 16, 16)] = z
        return carry
    lax.fori_loop(0, _K, zrow, 0)
    nz = rpt // _K
    for zi in range(nz):
        pltpu.sync_copy(gb, agg_sh.at[pl.ds(r0 + zi * _K, _K)])
    plsc.subcore_barrier()

    pltpu.async_copy(src_hbm.at[slab0], srcb, sem_src)
    pltpu.async_copy(dst_hbm.at[slab0], dstb, sem_dst)
    pltpu.async_copy(w_hbm.at[pl.ds(wrow0, _K // 8)], wb, sem_ew)
    pltpu.async_copy(e_hbm.at[pl.ds(base0, _K)], eb, sem_ew)

    def chunk(i, carry):
        slab_n = slab0 + i + 1
        base_n = base0 + (i + 1) * _K
        wrow_n = wrow0 + (i + 1) * (_K // 8)
        pltpu.make_async_copy(src_hbm.at[slab0], srcb, sem_src).wait()
        pltpu.async_copy(xs_hbm.at[srcb.at[0]], gb, sem_g).wait()
        pltpu.async_copy(src_hbm.at[slab_n], srcb, sem_src)
        pltpu.make_async_copy(e_hbm.at[pl.ds(base_n, _K)], eb, sem_ew).wait()
        pltpu.make_async_copy(w_hbm.at[pl.ds(wrow_n, _K // 8)], wb,
                              sem_ew).wait()

        @plsc.parallel_loop(0, _K, unroll=2)
        def rowf(r):
            wv = wb[r // 8, pl.ds((r % 8) * 16, 16)]
            for ccol in range(8):
                sl = pl.ds(ccol * 16, 16)
                x = gb[r, sl] + eb[r, sl]
                u = x * x
                q = jnp.exp(x * (_B2N + _BG * u))
                gb[r, sl] = (x * wv) / (1.0 + q)

        pltpu.async_copy(e_hbm.at[pl.ds(base_n, _K)], eb, sem_ew)
        pltpu.async_copy(w_hbm.at[pl.ds(wrow_n, _K // 8)], wb, sem_ew)
        pltpu.make_async_copy(dst_hbm.at[slab0], dstb, sem_dst).wait()
        pltpu.sync_copy(gb, agg_sh.at[dstb.at[0]], add=True)
        pltpu.async_copy(dst_hbm.at[slab_n], dstb, sem_dst)
        return carry
    lax.fori_loop(0, nch, chunk, 0)

    pltpu.make_async_copy(src_hbm.at[slab0], srcb, sem_src).wait()
    pltpu.make_async_copy(dst_hbm.at[slab0], dstb, sem_dst).wait()
    pltpu.make_async_copy(e_hbm.at[pl.ds(base0, _K)], eb, sem_ew).wait()
    pltpu.make_async_copy(w_hbm.at[pl.ds(wrow0, _K // 8)], wb, sem_ew).wait()

    plsc.subcore_barrier()
    pltpu.sync_copy(agg_sh.at[pl.ds(r0, rpt)], out_hbm.at[c, pl.ds(r0, rpt)])


def kernel(x_src, x_dst, edge_index, edge_attr, edge_weight,
           W_src, b_src, W_dst, b_dst, We1, be1, We2, be2,
           Wm1, bm1, Wm2, bm2, eps):
    N, D = x_src.shape
    E = edge_attr.shape[0]
    DE = edge_attr.shape[1]
    H = W_src.shape[1]
    f32 = jnp.float32

    src = edge_index[0].astype(jnp.int32)
    dst = edge_index[1].astype(jnp.int32)
    W_dst_eff = (1.0 + eps) * W_dst
    grp = _NC * _NT * _K * 2
    E_pad = ((E + grp - 1) // grp) * grp
    pe = E_pad - E
    src_p = jnp.pad(src, (0, pe + 2 * _K)).reshape(E_pad // _K + 2, 1, _K)
    dst_p = jnp.pad(dst, (0, pe + 2 * _K)).reshape(E_pad // _K + 2, 1, _K)
    BE = 8192
    ew_p = jnp.pad(edge_weight, (0, pe + BE))
    ew16 = jnp.broadcast_to(ew_p[:, None], (E_pad + BE, 16)) \
        .reshape((E_pad + BE) // 8, 128)
    ea_p = jnp.pad(edge_attr, ((0, pe + BE), (0, 0)))
    N_pad = ((N + _NT * 128 - 1) // (_NT * 128)) * (_NT * 128)
    pn = N_pad - N
    xsrc_p = jnp.pad(x_src, ((0, pn), (0, 0)))
    xdst_p = jnp.pad(x_dst, ((0, pn), (0, 0)))

    BN = 5120

    xs, xd = pl.pallas_call(
        _node_body,
        grid=(N_pad // BN,),
        in_specs=[
            pl.BlockSpec((BN, D), lambda i: (i, 0)),
            pl.BlockSpec((BN, D), lambda i: (i, 0)),
            pl.BlockSpec((D, H), lambda i: (0, 0)),
            pl.BlockSpec((1, H), lambda i: (0, 0)),
            pl.BlockSpec((D, H), lambda i: (0, 0)),
            pl.BlockSpec((1, H), lambda i: (0, 0)),
        ],
        out_specs=[
            pl.BlockSpec((BN, H), lambda i: (i, 0)),
            pl.BlockSpec((BN, H), lambda i: (i, 0)),
        ],
        out_shape=[
            jax.ShapeDtypeStruct((N_pad, H), f32),
            jax.ShapeDtypeStruct((N_pad, H), f32),
        ],
    )(xsrc_p, xdst_p, W_src, b_src.reshape(1, H), W_dst_eff, b_dst.reshape(1, H))

    e_p = pl.pallas_call(
        _edge_body,
        grid=((E_pad + BE) // BE,),
        in_specs=[
            pl.BlockSpec((BE, DE), lambda i: (i, 0)),
            pl.BlockSpec((DE, H), lambda i: (0, 0)),
            pl.BlockSpec((1, H), lambda i: (0, 0)),
            pl.BlockSpec((H, H), lambda i: (0, 0)),
            pl.BlockSpec((1, H), lambda i: (0, 0)),
        ],
        out_specs=pl.BlockSpec((BE, H), lambda i: (i, 0)),
        out_shape=jax.ShapeDtypeStruct((E_pad + BE, H), f32),
    )(ea_p, We1, be1.reshape(1, H), We2, be2.reshape(1, H))

    mesh = plsc.VectorSubcoreMesh(core_axis_name="c", subcore_axis_name="s",
                                  num_cores=_NC, num_subcores=_NT)
    sc_fn = pl.kernel(
        _sc_body,
        out_type=jax.ShapeDtypeStruct((_NC, N_pad, H), f32),
        mesh=mesh,
        scratch_types=[
            pltpu.VMEM_SHARED((N_pad, H), f32),
            pltpu.VMEM((1, _K), jnp.int32),
            pltpu.VMEM((1, _K), jnp.int32),
            pltpu.VMEM((_K // 8, 128), f32),
            pltpu.VMEM((_K, H), f32),
            pltpu.VMEM((_K, H), f32),
            pltpu.SemaphoreType.DMA,
            pltpu.SemaphoreType.DMA,
            pltpu.SemaphoreType.DMA,
            pltpu.SemaphoreType.DMA,
        ],
    )
    aggr_pk = sc_fn(xs, e_p, src_p, dst_p, ew16)

    out_p = pl.pallas_call(
        _mlp_body,
        grid=(N_pad // BN,),
        in_specs=[
            pl.BlockSpec((_NC, BN, H), lambda i: (0, i, 0)),
            pl.BlockSpec((BN, H), lambda i: (i, 0)),
            pl.BlockSpec((H, H), lambda i: (0, 0)),
            pl.BlockSpec((1, H), lambda i: (0, 0)),
            pl.BlockSpec((H, H), lambda i: (0, 0)),
            pl.BlockSpec((1, H), lambda i: (0, 0)),
        ],
        out_specs=pl.BlockSpec((BN, H), lambda i: (i, 0)),
        out_shape=jax.ShapeDtypeStruct((N_pad, H), f32),
    )(aggr_pk, xd, Wm1, bm1.reshape(1, H), Wm2, bm2.reshape(1, H))
    return out_p[:N]

# --- scband reference (transcript-rebuilt; emitter-appended) ---
"""Pipeline reference for scband-hetero-gnn-80530636800601 (READ-ONLY COPY).

The authoritative reference and input builder live on the scoring server;
editing this copy changes nothing except your own understanding.
"""

import jax, jax.numpy as jnp
import numpy as np

N = 10000
E = 320000
D = 128
DE = 16
H = 128


def setup_inputs(seed: int = 0) -> dict:
    key = jax.random.key(seed)
    ks = jax.random.split(key, 20)
    x_src = jax.random.normal(ks[0], (N, D), dtype=jnp.float32)
    x_dst = jax.random.normal(ks[1], (N, D), dtype=jnp.float32)
    edge_index = jax.random.randint(ks[2], (2, E), 0, N, dtype=jnp.int64)
    edge_attr = jax.random.normal(ks[3], (E, DE), dtype=jnp.float32)
    edge_weight = jax.random.uniform(ks[4], (E,), dtype=jnp.float32)
    s = 0.05
    W_src = jax.random.normal(ks[5], (D, H), dtype=jnp.float32) * s
    b_src = jnp.zeros((H,), dtype=jnp.float32)
    W_dst = jax.random.normal(ks[6], (D, H), dtype=jnp.float32) * s
    b_dst = jnp.zeros((H,), dtype=jnp.float32)
    We1 = jax.random.normal(ks[7], (DE, H), dtype=jnp.float32) * s
    be1 = jnp.zeros((H,), dtype=jnp.float32)
    We2 = jax.random.normal(ks[8], (H, H), dtype=jnp.float32) * s
    be2 = jnp.zeros((H,), dtype=jnp.float32)
    Wm1 = jax.random.normal(ks[9], (H, H), dtype=jnp.float32) * s
    bm1 = jnp.zeros((H,), dtype=jnp.float32)
    Wm2 = jax.random.normal(ks[10], (H, H), dtype=jnp.float32) * s
    bm2 = jnp.zeros((H,), dtype=jnp.float32)
    eps = jnp.zeros((), dtype=jnp.float32)
    return {
        "x_src": x_src, "x_dst": x_dst, "edge_index": edge_index,
        "edge_attr": edge_attr, "edge_weight": edge_weight,
        "W_src": W_src, "b_src": b_src, "W_dst": W_dst, "b_dst": b_dst,
        "We1": We1, "be1": be1, "We2": We2, "be2": be2,
        "Wm1": Wm1, "bm1": bm1, "Wm2": Wm2, "bm2": bm2, "eps": eps,
    }


def reference(x_src, x_dst, edge_index, edge_attr, edge_weight,
              W_src, b_src, W_dst, b_dst, We1, be1, We2, be2,
              Wm1, bm1, Wm2, bm2, eps):
    # HeteroGINEConv.forward
    src = edge_index[0]
    dst = edge_index[1]
    # x = (self.lin_src(x[0]), x[1])
    xs = x_src @ W_src + b_src
    # edge_attr = self.edge_encoder(edge_attr)  (edge_encoder + Linear)
    e = jax.nn.relu(edge_attr @ We1 + be1) @ We2 + be2
    # message: m = gelu(x_j + edge_attr) * edge_weight[:, None]
    m = jax.nn.gelu(xs[src] + e) * edge_weight[:, None]
    # propagate with aggr='add' -> scatter-add over dst
    aggr = jax.ops.segment_sum(m, dst, num_segments=x_dst.shape[0])
    # x_dst = lin_dst((1 + eps) * x[1])
    xd = ((1.0 + eps) * x_dst) @ W_dst + b_dst
    out = aggr + xd
    # MLP([hid]*(num_mlp_layers+1)) with relu between layers, no act on last
    h = jax.nn.relu(out @ Wm1 + bm1)
    out = h @ Wm2 + bm2
    return out

if __name__ == "__main__":
    import jax
    _d = setup_inputs()
    print(jax.jit(kernel)(*tuple(_d.values())))

</pallas_src>

<mosaic_0001>
#map = affine_map<(d0, d1) -> (0, 0)>
#map1 = affine_map<(d0, d1) -> (0, 0, 0)>
module attributes {stable_mosaic.version = 14 : i64} {
  func.func @_sc_body(%arg0: i32, %arg1: i32, %arg2: memref<10240x128xf32, #tpu.memory_space<hbm>>, %arg3: memref<335872x128xf32, #tpu.memory_space<hbm>>, %arg4: memref<2562x1x128xi32, #tpu.memory_space<hbm>>, %arg5: memref<2562x1x128xi32, #tpu.memory_space<hbm>>, %arg6: memref<41984x128xf32, #tpu.memory_space<hbm>>, %arg7: memref<2x10240x128xf32, #tpu.memory_space<hbm>>, %arg8: memref<10240x128xf32, #tpu.memory_space<vmem_shared>>, %arg9: memref<1x128xi32, #tpu.memory_space<vmem>>, %arg10: memref<1x128xi32, #tpu.memory_space<vmem>>, %arg11: memref<16x128xf32, #tpu.memory_space<vmem>>, %arg12: memref<128x128xf32, #tpu.memory_space<vmem>>, %arg13: memref<128x128xf32, #tpu.memory_space<vmem>>, %arg14: memref<!tpu.dma_semaphore, #tpu.memory_space<semaphore_mem>>, %arg15: memref<!tpu.dma_semaphore, #tpu.memory_space<semaphore_mem>>, %arg16: memref<!tpu.dma_semaphore, #tpu.memory_space<semaphore_mem>>, %arg17: memref<!tpu.dma_semaphore, #tpu.memory_space<semaphore_mem>>) attributes {dimension_semantics = [#tpu.dimension_semantics<core_parallel>, #tpu.dimension_semantics<subcore_parallel>], iteration_bounds = array<i64: 2, 16>, scalar_prefetch = 0 : i64, scratch_operands = 10 : i64, tpu.core_type = #tpu.core_type<sc_vector_subcore>, window_params = [{transform_indices = #map}, {transform_indices = #map}, {transform_indices = #map1}, {transform_indices = #map1}, {transform_indices = #map}, {transform_indices = #map1}]} {
    %mul3A = arith.constant 640 : i32
    %mul3A_0 = arith.muli %arg1, %mul3A : i32
    %mul3A_1 = arith.constant 1280 : i32
    %mul3A_2 = arith.muli %arg0, %mul3A_1 : i32
    %mul3A_3 = arith.constant 80 : i32
    %mul3A_4 = arith.muli %arg1, %mul3A_3 : i32
    %add3A = arith.addi %mul3A_2, %mul3A_4 : i32
    %mul3A_5 = arith.constant 163840 : i32
    %mul3A_6 = arith.muli %arg0, %mul3A_5 : i32
    %mul3A_7 = arith.constant 10240 : i32
    %mul3A_8 = arith.muli %arg1, %mul3A_7 : i32
    %add3A_9 = arith.addi %mul3A_6, %mul3A_8 : i32
    %mul3A_10 = arith.constant 20480 : i32
    %mul3A_11 = arith.muli %arg0, %mul3A_10 : i32
    %mul3A_12 = arith.constant 1280 : i32
    %mul3A_13 = arith.muli %arg1, %mul3A_12 : i32
    %add3A_14 = arith.addi %mul3A_11, %mul3A_13 : i32
    %scan3A = arith.constant 0 : i32
    %scan3A_15 = arith.constant 0 : i32
    %scan3A_16 = arith.constant 128 : i32
    %scan3A_17 = arith.addi %scan3A_15, %scan3A_16 : i32
    %scan3A_18 = arith.constant 1 : i32
    scf.for %scan3A_83 = %scan3A_15 to %scan3A_17 step %scan3A_18  : i32 {
      %broadcast_in_dim3A = arith.constant 0.000000e+00 : f32
      %broadcast_in_dim3A_84 = vector.broadcast %broadcast_in_dim3A : f32 to vector<16xf32>
      %swap3A = arith.index_cast %scan3A_83 : i32 to index
      %swap3A_85 = arith.constant 0 : index
      %swap3A_86 = tpu.vector_load %arg13[%swap3A, %swap3A_85] {strides = array<i32>} : memref<128x128xf32, #tpu.memory_space<vmem>>, vector<1x16xf32>,
      %swap3A_87 = vector.shape_cast %swap3A_86 : vector<1x16xf32> to vector<16xf32>
      %swap3A_88 = vector.shape_cast %broadcast_in_dim3A_84 : vector<16xf32> to vector<1x16xf32>
      tpu.vector_store %arg13[%swap3A, %swap3A_85], %swap3A_88 {strides = array<i32>} : memref<128x128xf32, #tpu.memory_space<vmem>>, vector<1x16xf32>,
      %swap3A_89 = arith.index_cast %scan3A_83 : i32 to index
      %swap3A_90 = arith.constant 16 : index
      %swap3A_91 = tpu.vector_load %arg13[%swap3A_89, %swap3A_90] {strides = array<i32>} : memref<128x128xf32, #tpu.memory_space<vmem>>, vector<1x16xf32>,
      %swap3A_92 = vector.shape_cast %swap3A_91 : vector<1x16xf32> to vector<16xf32>
      %swap3A_93 = vector.shape_cast %broadcast_in_dim3A_84 : vector<16xf32> to vector<1x16xf32>
      tpu.vector_store %arg13[%swap3A_89, %swap3A_90], %swap3A_93 {strides = array<i32>} : memref<128x128xf32, #tpu.memory_space<vmem>>, vector<1x16xf32>,
      %swap3A_94 = arith.index_cast %scan3A_83 : i32 to index
      %swap3A_95 = arith.constant 32 : index
      %swap3A_96 = tpu.vector_load %arg13[%swap3A_94, %swap3A_95] {strides = array<i32>} : memref<128x128xf32, #tpu.memory_space<vmem>>, vector<1x16xf32>,
      %swap3A_97 = vector.shape_cast %swap3A_96 : vector<1x16xf32> to vector<16xf32>
      %swap3A_98 = vector.shape_cast %broadcast_in_dim3A_84 : vector<16xf32> to vector<1x16xf32>
      tpu.vector_store %arg13[%swap3A_94, %swap3A_95], %swap3A_98 {strides = array<i32>} : memref<128x128xf32, #tpu.memory_space<vmem>>, vector<1x16xf32>,
      %swap3A_99 = arith.index_cast %scan3A_83 : i32 to index
      %swap3A_100 = arith.constant 48 : index
      %swap3A_101 = tpu.vector_load %arg13[%swap3A_99, %swap3A_100] {strides = array<i32>} : memref<128x128xf32, #tpu.memory_space<vmem>>, vector<1x16xf32>,
      %swap3A_102 = vector.shape_cast %swap3A_101 : vector<1x16xf32> to vector<16xf32>
      %swap3A_103 = vector.shape_cast %broadcast_in_dim3A_84 : vector<16xf32> to vector<1x16xf32>
      tpu.vector_store %arg13[%swap3A_99, %swap3A_100], %swap3A_103 {strides = array<i32>} : memref<128x128xf32, #tpu.memory_space<vmem>>, vector<1x16xf32>,
      %swap3A_104 = arith.index_cast %scan3A_83 : i32 to index
      %swap3A_105 = arith.constant 64 : index
      %swap3A_106 = tpu.vector_load %arg13[%swap3A_104, %swap3A_105] {strides = array<i32>} : memref<128x128xf32, #tpu.memory_space<vmem>>, vector<1x16xf32>,
      %swap3A_107 = vector.shape_cast %swap3A_106 : vector<1x16xf32> to vector<16xf32>
      %swap3A_108 = vector.shape_cast %broadcast_in_dim3A_84 : vector<16xf32> to vector<1x16xf32>
      tpu.vector_store %arg13[%swap3A_104, %swap3A_105], %swap3A_108 {strides = array<i32>} : memref<128x128xf32, #tpu.memory_space<vmem>>, vector<1x16xf32>,
      %swap3A_109 = arith.index_cast %scan3A_83 : i32 to index
      %swap3A_110 = arith.constant 80 : index
      %swap3A_111 = tpu.vector_load %arg13[%swap3A_109, %swap3A_110] {strides = array<i32>} : memref<128x128xf32, #tpu.memory_space<vmem>>, vector<1x16xf32>,
      %swap3A_112 = vector.shape_cast %swap3A_111 : vector<1x16xf32> to vector<16xf32>
      %swap3A_113 = vector.shape_cast %broadcast_in_dim3A_84 : vector<16xf32> to vector<1x16xf32>
      tpu.vector_store %arg13[%swap3A_109, %swap3A_110], %swap3A_113 {strides = array<i32>} : memref<128x128xf32, #tpu.memory_space<vmem>>, vector<1x16xf32>,
      %swap3A_114 = arith.index_cast %scan3A_83 : i32 to index
      %swap3A_115 = arith.constant 96 : index
      %swap3A_116 = tpu.vector_load %arg13[%swap3A_114, %swap3A_115] {strides = array<i32>} : memref<128x128xf32, #tpu.memory_space<vmem>>, vector<1x16xf32>,
      %swap3A_117 = vector.shape_cast %swap3A_116 : vector<1x16xf32> to vector<16xf32>
      %swap3A_118 = vector.shape_cast %broadcast_in_dim3A_84 : vector<16xf32> to vector<1x16xf32>
      tpu.vector_store %arg13[%swap3A_114, %swap3A_115], %swap3A_118 {strides = array<i32>} : memref<128x128xf32, #tpu.memory_space<vmem>>, vector<1x16xf32>,
      %swap3A_119 = arith.index_cast %scan3A_83 : i32 to index
      %swap3A_120 = arith.constant 112 : index
      %swap3A_121 = tpu.vector_load %arg13[%swap3A_119, %swap3A_120] {strides = array<i32>} : memref<128x128xf32, #tpu.memory_space<vmem>>, vector<1x16xf32>,
      %swap3A_122 = vector.shape_cast %swap3A_121 : vector<1x16xf32> to vector<16xf32>
      %swap3A_123 = vector.shape_cast %broadcast_in_dim3A_84 : vector<16xf32> to vector<1x16xf32>
      tpu.vector_store %arg13[%swap3A_119, %swap3A_120], %swap3A_123 {strides = array<i32>} : memref<128x128xf32, #tpu.memory_space<vmem>>, vector<1x16xf32>,
    }
    %scan3A_19 = arith.constant 128 : i32
    %add3A_20 = arith.constant 0 : i32
    %add3A_21 = arith.addi %mul3A_0, %add3A_20 : i32
    "tpu.region"() ({
      %run_scoped3A = tpu.sem_alloc : memref<!tpu.dma_semaphore, #tpu.memory_space<semaphore_mem>>
      %dma_start3A_83 = arith.constant 0 : i32
      %dma_start3A_84 = tpu.memref_slice %arg8[%add3A_21, %dma_start3A_83] : memref<10240x128xf32, #tpu.memory_space<vmem_shared>> -> memref<128x128xf32, #tpu.memory_space<vmem_shared>>
      %dma_start3A_85 = arith.constant 0 : i32
      %dma_start3A_86 = tpu.memref_slice %arg8[%add3A_21, %dma_start3A_85] : memref<10240x128xf32, #tpu.memory_space<vmem_shared>> -> memref<128x128xf32, #tpu.memory_space<vmem_shared>>
      tpu.enqueue_dma source(%arg13 : memref<128x128xf32, #tpu.memory_space<vmem>>) target(%dma_start3A_86 : memref<128x128xf32, #tpu.memory_space<vmem_shared>>) target_semaphore(%run_scoped3A : memref<!tpu.dma_semaphore, #tpu.memory_space<semaphore_mem>>)
      %dma_wait3A_87 = arith.constant 0 : i32
      %dma_wait3A_88 = tpu.memref_slice %arg8[%add3A_21, %dma_wait3A_87] : memref<10240x128xf32, #tpu.memory_space<vmem_shared>> -> memref<128x128xf32, #tpu.memory_space<vmem_shared>>
      %dma_wait3A_89 = arith.constant 0 : i32
      %dma_wait3A_90 = tpu.memref_slice %arg8[%add3A_21, %dma_wait3A_89] : memref<10240x128xf32, #tpu.memory_space<vmem_shared>> -> memref<128x128xf32, #tpu.memory_space<vmem_shared>>
      tpu.wait_dma2 semaphore(%run_scoped3A : memref<!tpu.dma_semaphore, #tpu.memory_space<semaphore_mem>>) src(%arg13 : memref<128x128xf32, #tpu.memory_space<vmem>>) dst(%dma_wait3A_90 : memref<128x128xf32, #tpu.memory_space<vmem_shared>>)
      tpu.yield
    }) : () -> ()
    %add3A_22 = arith.constant 128 : i32
    %add3A_23 = arith.addi %mul3A_0, %add3A_22 : i32
    "tpu.region"() ({
      %run_scoped3A = tpu.sem_alloc : memref<!tpu.dma_semaphore, #tpu.memory_space<semaphore_mem>>
      %dma_start3A_83 = arith.constant 0 : i32
      %dma_start3A_84 = tpu.memref_slice %arg8[%add3A_23, %dma_start3A_83] : memref<10240x128xf32, #tpu.memory_space<vmem_shared>> -> memref<128x128xf32, #tpu.memory_space<vmem_shared>>
      %dma_start3A_85 = arith.constant 0 : i32
      %dma_start3A_86 = tpu.memref_slice %arg8[%add3A_23, %dma_start3A_85] : memref<10240x128xf32, #tpu.memory_space<vmem_shared>> -> memref<128x128xf32, #tpu.memory_space<vmem_shared>>
      tpu.enqueue_dma source(%arg13 : memref<128x128xf32, #tpu.memory_space<vmem>>) target(%dma_start3A_86 : memref<128x128xf32, #tpu.memory_space<vmem_shared>>) target_semaphore(%run_scoped3A : memref<!tpu.dma_semaphore, #tpu.memory_space<semaphore_mem>>)
      %dma_wait3A_87 = arith.constant 0 : i32
      %dma_wait3A_88 = tpu.memref_slice %arg8[%add3A_23, %dma_wait3A_87] : memref<10240x128xf32, #tpu.memory_space<vmem_shared>> -> memref<128x128xf32, #tpu.memory_space<vmem_shared>>
      %dma_wait3A_89 = arith.constant 0 : i32
      %dma_wait3A_90 = tpu.memref_slice %arg8[%add3A_23, %dma_wait3A_89] : memref<10240x128xf32, #tpu.memory_space<vmem_shared>> -> memref<128x128xf32, #tpu.memory_space<vmem_shared>>
      tpu.wait_dma2 semaphore(%run_scoped3A : memref<!tpu.dma_semaphore, #tpu.memory_space<semaphore_mem>>) src(%arg13 : memref<128x128xf32, #tpu.memory_space<vmem>>) dst(%dma_wait3A_90 : memref<128x128xf32, #tpu.memory_space<vmem_shared>>)
      tpu.yield
    }) : () -> ()
    %add3A_24 = arith.constant 256 : i32
    %add3A_25 = arith.addi %mul3A_0, %add3A_24 : i32
    "tpu.region"() ({
      %run_scoped3A = tpu.sem_alloc : memref<!tpu.dma_semaphore, #tpu.memory_space<semaphore_mem>>
      %dma_start3A_83 = arith.constant 0 : i32
      %dma_start3A_84 = tpu.memref_slice %arg8[%add3A_25, %dma_start3A_83] : memref<10240x128xf32, #tpu.memory_space<vmem_shared>> -> memref<128x128xf32, #tpu.memory_space<vmem_shared>>
      %dma_start3A_85 = arith.constant 0 : i32
      %dma_start3A_86 = tpu.memref_slice %arg8[%add3A_25, %dma_start3A_85] : memref<10240x128xf32, #tpu.memory_space<vmem_shared>> -> memref<128x128xf32, #tpu.memory_space<vmem_shared>>
      tpu.enqueue_dma source(%arg13 : memref<128x128xf32, #tpu.memory_space<vmem>>) target(%dma_start3A_86 : memref<128x128xf32, #tpu.memory_space<vmem_shared>>) target_semaphore(%run_scoped3A : memref<!tpu.dma_semaphore, #tpu.memory_space<semaphore_mem>>)
      %dma_wait3A_87 = arith.constant 0 : i32
      %dma_wait3A_88 = tpu.memref_slice %arg8[%add3A_25, %dma_wait3A_87] : memref<10240x128xf32, #tpu.memory_space<vmem_shared>> -> memref<128x128xf32, #tpu.memory_space<vmem_shared>>
      %dma_wait3A_89 = arith.constant 0 : i32
      %dma_wait3A_90 = tpu.memref_slice %arg8[%add3A_25, %dma_wait3A_89] : memref<10240x128xf32, #tpu.memory_space<vmem_shared>> -> memref<128x128xf32, #tpu.memory_space<vmem_shared>>
      tpu.wait_dma2 semaphore(%run_scoped3A : memref<!tpu.dma_semaphore, #tpu.memory_space<semaphore_mem>>) src(%arg13 : memref<128x128xf32, #tpu.memory_space<vmem>>) dst(%dma_wait3A_90 : memref<128x128xf32, #tpu.memory_space<vmem_shared>>)
      tpu.yield
    }) : () -> ()
    %add3A_26 = arith.constant 384 : i32
    %add3A_27 = arith.addi %mul3A_0, %add3A_26 : i32
    "tpu.region"() ({
      %run_scoped3A = tpu.sem_alloc : memref<!tpu.dma_semaphore, #tpu.memory_space<semaphore_mem>>
      %dma_start3A_83 = arith.constant 0 : i32
      %dma_start3A_84 = tpu.memref_slice %arg8[%add3A_27, %dma_start3A_83] : memref<10240x128xf32, #tpu.memory_space<vmem_shared>> -> memref<128x128xf32, #tpu.memory_space<vmem_shared>>
      %dma_start3A_85 = arith.constant 0 : i32
      %dma_start3A_86 = tpu.memref_slice %arg8[%add3A_27, %dma_start3A_85] : memref<10240x128xf32, #tpu.memory_space<vmem_shared>> -> memref<128x128xf32, #tpu.memory_space<vmem_shared>>
      tpu.enqueue_dma source(%arg13 : memref<128x128xf32, #tpu.memory_space<vmem>>) target(%dma_start3A_86 : memref<128x128xf32, #tpu.memory_space<vmem_shared>>) target_semaphore(%run_scoped3A : memref<!tpu.dma_semaphore, #tpu.memory_space<semaphore_mem>>)
      %dma_wait3A_87 = arith.constant 0 : i32
      %dma_wait3A_88 = tpu.memref_slice %arg8[%add3A_27, %dma_wait3A_87] : memref<10240x128xf32, #tpu.memory_space<vmem_shared>> -> memref<128x128xf32, #tpu.memory_space<vmem_shared>>
      %dma_wait3A_89 = arith.constant 0 : i32
      %dma_wait3A_90 = tpu.memref_slice %arg8[%add3A_27, %dma_wait3A_89] : memref<10240x128xf32, #tpu.memory_space<vmem_shared>> -> memref<128x128xf32, #tpu.memory_space<vmem_shared>>
      tpu.wait_dma2 semaphore(%run_scoped3A : memref<!tpu.dma_semaphore, #tpu.memory_space<semaphore_mem>>) src(%arg13 : memref<128x128xf32, #tpu.memory_space<vmem>>) dst(%dma_wait3A_90 : memref<128x128xf32, #tpu.memory_space<vmem_shared>>)
      tpu.yield
    }) : () -> ()
    %add3A_28 = arith.constant 512 : i32
    %add3A_29 = arith.addi %mul3A_0, %add3A_28 : i32
    "tpu.region"() ({
      %run_scoped3A = tpu.sem_alloc : memref<!tpu.dma_semaphore, #tpu.memory_space<semaphore_mem>>
      %dma_start3A_83 = arith.constant 0 : i32
      %dma_start3A_84 = tpu.memref_slice %arg8[%add3A_29, %dma_start3A_83] : memref<10240x128xf32, #tpu.memory_space<vmem_shared>> -> memref<128x128xf32, #tpu.memory_space<vmem_shared>>
      %dma_start3A_85 = arith.constant 0 : i32
      %dma_start3A_86 = tpu.memref_slice %arg8[%add3A_29, %dma_start3A_85] : memref<10240x128xf32, #tpu.memory_space<vmem_shared>> -> memref<128x128xf32, #tpu.memory_space<vmem_shared>>
      tpu.enqueue_dma source(%arg13 : memref<128x128xf32, #tpu.memory_space<vmem>>) target(%dma_start3A_86 : memref<128x128xf32, #tpu.memory_space<vmem_shared>>) target_semaphore(%run_scoped3A : memref<!tpu.dma_semaphore, #tpu.memory_space<semaphore_mem>>)
      %dma_wait3A_87 = arith.constant 0 : i32
      %dma_wait3A_88 = tpu.memref_slice %arg8[%add3A_29, %dma_wait3A_87] : memref<10240x128xf32, #tpu.memory_space<vmem_shared>> -> memref<128x128xf32, #tpu.memory_space<vmem_shared>>
      %dma_wait3A_89 = arith.constant 0 : i32
      %dma_wait3A_90 = tpu.memref_slice %arg8[%add3A_29, %dma_wait3A_89] : memref<10240x128xf32, #tpu.memory_space<vmem_shared>> -> memref<128x128xf32, #tpu.memory_space<vmem_shared>>
      tpu.wait_dma2 semaphore(%run_scoped3A : memref<!tpu.dma_semaphore, #tpu.memory_space<semaphore_mem>>) src(%arg13 : memref<128x128xf32, #tpu.memory_space<vmem>>) dst(%dma_wait3A_90 : memref<128x128xf32, #tpu.memory_space<vmem_shared>>)
      tpu.yield
    }) : () -> ()
    %barrier3A = arith.constant 0 : index
    tpu.barrier barrier_id(%barrier3A)
    %dma_start3A = arith.constant 0 : i32
    %dma_start3A_30 = arith.constant 0 : i32
    %dma_start3A_31 = tpu.memref_slice %arg4[%add3A, %dma_start3A, %dma_start3A_30] : memref<2562x1x128xi32, #tpu.memory_space<hbm>> -> memref<1x1x128xi32, #tpu.memory_space<hbm>>
    %dma_start3A_32 = tpu.memref_squeeze %dma_start3A_31 : memref<1x1x128xi32, #tpu.memory_space<hbm>> -> memref<1x128xi32, #tpu.memory_space<hbm>>
    %dma_start3A_33 = arith.constant 0 : i32
    %dma_start3A_34 = arith.constant 0 : i32
    %dma_start3A_35 = tpu.memref_slice %arg4[%add3A, %dma_start3A_33, %dma_start3A_34] : memref<2562x1x128xi32, #tpu.memory_space<hbm>> -> memref<1x1x128xi32, #tpu.memory_space<hbm>>
    %dma_start3A_36 = tpu.memref_squeeze %dma_start3A_35 : memref<1x1x128xi32, #tpu.memory_space<hbm>> -> memref<1x128xi32, #tpu.memory_space<hbm>>
    tpu.enqueue_dma source(%dma_start3A_36 : memref<1x128xi32, #tpu.memory_space<hbm>>) target(%arg9 : memref<1x128xi32, #tpu.memory_space<vmem>>) target_semaphore(%arg14 : memref<!tpu.dma_semaphore, #tpu.memory_space<semaphore_mem>>)
    %dma_start3A_37 = arith.constant 0 : i32
    %dma_start3A_38 = arith.constant 0 : i32
    %dma_start3A_39 = tpu.memref_slice %arg5[%add3A, %dma_start3A_37, %dma_start3A_38] : memref<2562x1x128xi32, #tpu.memory_space<hbm>> -> memref<1x1x128xi32, #tpu.memory_space<hbm>>
    %dma_start3A_40 = tpu.memref_squeeze %dma_start3A_39 : memref<1x1x128xi32, #tpu.memory_space<hbm>> -> memref<1x128xi32, #tpu.memory_space<hbm>>
    %dma_start3A_41 = arith.constant 0 : i32
    %dma_start3A_42 = arith.constant 0 : i32
    %dma_start3A_43 = tpu.memref_slice %arg5[%add3A, %dma_start3A_41, %dma_start3A_42] : memref<2562x1x128xi32, #tpu.memory_space<hbm>> -> memref<1x1x128xi32, #tpu.memory_space<hbm>>
    %dma_start3A_44 = tpu.memref_squeeze %dma_start3A_43 : memref<1x1x128xi32, #tpu.memory_space<hbm>> -> memref<1x128xi32, #tpu.memory_space<hbm>>
    tpu.enqueue_dma source(%dma_start3A_44 : memref<1x128xi32, #tpu.memory_space<hbm>>) target(%arg10 : memref<1x128xi32, #tpu.memory_space<vmem>>) target_semaphore(%arg15 : memref<!tpu.dma_semaphore, #tpu.memory_space<semaphore_mem>>)
    %dma_start3A_45 = arith.constant 0 : i32
    %dma_start3A_46 = tpu.memref_slice %arg6[%add3A_14, %dma_start3A_45] : memref<41984x128xf32, #tpu.memory_space<hbm>> -> memref<16x128xf32, #tpu.memory_space<hbm>>
    %dma_start3A_47 = arith.constant 0 : i32
    %dma_start3A_48 = tpu.memref_slice %arg6[%add3A_14, %dma_start3A_47] : memref<41984x128xf32, #tpu.memory_space<hbm>> -> memref<16x128xf32, #tpu.memory_space<hbm>>
    tpu.enqueue_dma source(%dma_start3A_48 : memref<16x128xf32, #tpu.memory_space<hbm>>) target(%arg11 : memref<16x128xf32, #tpu.memory_space<vmem>>) target_semaphore(%arg16 : memref<!tpu.dma_semaphore, #tpu.memory_space<semaphore_mem>>)
    %dma_start3A_49 = arith.constant 0 : i32
    %dma_start3A_50 = tpu.memref_slice %arg3[%add3A_9, %dma_start3A_49] : memref<335872x128xf32, #tpu.memory_space<hbm>> -> memref<128x128xf32, #tpu.memory_space<hbm>>
    %dma_start3A_51 = arith.constant 0 : i32
    %dma_start3A_52 = tpu.memref_slice %arg3[%add3A_9, %dma_start3A_51] : memref<335872x128xf32, #tpu.memory_space<hbm>> -> memref<128x128xf32, #tpu.memory_space<hbm>>
    tpu.enqueue_dma source(%dma_start3A_52 : memref<128x128xf32, #tpu.memory_space<hbm>>) target(%arg12 : memref<128x128xf32, #tpu.memory_space<vmem>>) target_semaphore(%arg16 : memref<!tpu.dma_semaphore, #tpu.memory_space<semaphore_mem>>)
    %scan3A_53 = arith.constant 0 : i32
    %scan3A_54 = arith.constant 0 : i32
    %scan3A_55 = arith.constant 80 : i32
    %scan3A_56 = arith.addi %scan3A_54, %scan3A_55 : i32
    %scan3A_57 = arith.constant 1 : i32
    scf.for %scan3A_83 = %scan3A_54 to %scan3A_56 step %scan3A_57  : i32 {
      %add3A_84 = arith.addi %add3A, %scan3A_83 : i32
      %add3A_85 = arith.constant 1 : i32
      %add3A_86 = arith.addi %add3A_84, %add3A_85 : i32
      %add3A_87 = arith.constant 1 : i32
      %add3A_88 = arith.addi %scan3A_83, %add3A_87 : i32
      %mul3A_89 = arith.constant 128 : i32
      %mul3A_90 = arith.muli %add3A_88, %mul3A_89 : i32
      %add3A_91 = arith.addi %add3A_9, %mul3A_90 : i32
      %add3A_92 = arith.constant 1 : i32
      %add3A_93 = arith.addi %scan3A_83, %add3A_92 : i32
      %mul3A_94 = arith.constant 16 : i32
      %mul3A_95 = arith.muli %add3A_93, %mul3A_94 : i32
      %add3A_96 = arith.addi %add3A_14, %mul3A_95 : i32
      %dma_wait3A_97 = arith.constant 0 : i32
      %dma_wait3A_98 = arith.constant 0 : i32
      %dma_wait3A_99 = tpu.memref_slice %arg4[%add3A, %dma_wait3A_97, %dma_wait3A_98] : memref<2562x1x128xi32, #tpu.memory_space<hbm>> -> memref<1x1x128xi32, #tpu.memory_space<hbm>>
      %dma_wait3A_100 = tpu.memref_squeeze %dma_wait3A_99 : memref<1x1x128xi32, #tpu.memory_space<hbm>> -> memref<1x128xi32, #tpu.memory_space<hbm>>
      %dma_wait3A_101 = arith.constant 0 : i32
      %dma_wait3A_102 = arith.constant 0 : i32
      %dma_wait3A_103 = tpu.memref_slice %arg4[%add3A, %dma_wait3A_101, %dma_wait3A_102] : memref<2562x1x128xi32, #tpu.memory_space<hbm>> -> memref<1x1x128xi32, #tpu.memory_space<hbm>>
      %dma_wait3A_104 = tpu.memref_squeeze %dma_wait3A_103 : memref<1x1x128xi32, #tpu.memory_space<hbm>> -> memref<1x128xi32, #tpu.memory_space<hbm>>
      tpu.wait_dma2 semaphore(%arg14 : memref<!tpu.dma_semaphore, #tpu.memory_space<semaphore_mem>>) src(%dma_wait3A_104 : memref<1x128xi32, #tpu.memory_space<hbm>>) dst(%arg9 : memref<1x128xi32, #tpu.memory_space<vmem>>)
      %dma_start3A_105 = arith.constant 0 : i32
      %dma_start3A_106 = arith.constant 0 : i32
      %dma_start3A_107 = tpu.memref_slice %arg9[%dma_start3A_105, %dma_start3A_106] : memref<1x128xi32, #tpu.memory_space<vmem>> -> memref<1x128xi32, #tpu.memory_space<vmem>>
      %dma_start3A_108 = tpu.memref_squeeze %dma_start3A_107 : memref<1x128xi32, #tpu.memory_space<vmem>> -> memref<128xi32, #tpu.memory_space<vmem>>
      %dma_start3A_109 = arith.constant 0 : i32
      %dma_start3A_110 = arith.constant 0 : i32
      %dma_start3A_111 = tpu.memref_slice %arg2[%dma_start3A_109, %dma_start3A_110] : memref<10240x128xf32, #tpu.memory_space<hbm>> -> memref<10240x128xf32, #tpu.memory_space<hbm>>
      tpu.enqueue_indirect_dma source(%dma_start3A_111 : memref<10240x128xf32, #tpu.memory_space<hbm>>) target(%arg13 : memref<128x128xf32, #tpu.memory_space<vmem>>) offsets(%dma_start3A_108 : memref<128xi32, #tpu.memory_space<vmem>>) semaphore(%arg17 : memref<!tpu.dma_semaphore, #tpu.memory_space<semaphore_mem>>)
      %dma_wait3A_112 = arith.constant 0 : i32
      %dma_wait3A_113 = arith.constant 0 : i32
      %dma_wait3A_114 = tpu.memref_slice %arg9[%dma_wait3A_112, %dma_wait3A_113] : memref<1x128xi32, #tpu.memory_space<vmem>> -> memref<1x128xi32, #tpu.memory_space<vmem>>
      %dma_wait3A_115 = tpu.memref_squeeze %dma_wait3A_114 : memref<1x128xi32, #tpu.memory_space<vmem>> -> memref<128xi32, #tpu.memory_space<vmem>>
      %dma_wait3A_116 = arith.constant 0 : i32
      %dma_wait3A_117 = arith.constant 0 : i32
      %dma_wait3A_118 = tpu.memref_slice %arg2[%dma_wait3A_116, %dma_wait3A_117] : memref<10240x128xf32, #tpu.memory_space<hbm>> -> memref<10240x128xf32, #tpu.memory_space<hbm>>
      tpu.wait_indirect_dma semaphore(%arg17 : memref<!tpu.dma_semaphore, #tpu.memory_space<semaphore_mem>>) src(%dma_wait3A_118 : memref<10240x128xf32, #tpu.memory_space<hbm>>) dst(%arg13 : memref<128x128xf32, #tpu.memory_space<vmem>>)
      %dma_start3A_119 = arith.constant 0 : i32
      %dma_start3A_120 = arith.constant 0 : i32
      %dma_start3A_121 = tpu.memref_slice %arg4[%add3A_86, %dma_start3A_119, %dma_start3A_120] : memref<2562x1x128xi32, #tpu.memory_space<hbm>> -> memref<1x1x128xi32, #tpu.memory_space<hbm>>
      %dma_start3A_122 = tpu.memref_squeeze %dma_start3A_121 : memref<1x1x128xi32, #tpu.memory_space<hbm>> -> memref<1x128xi32, #tpu.memory_space<hbm>>
      %dma_start3A_123 = arith.constant 0 : i32
      %dma_start3A_124 = arith.constant 0 : i32
      %dma_start3A_125 = tpu.memref_slice %arg4[%add3A_86, %dma_start3A_123, %dma_start3A_124] : memref<2562x1x128xi32, #tpu.memory_space<hbm>> -> memref<1x1x128xi32, #tpu.memory_space<hbm>>
      %dma_start3A_126 = tpu.memref_squeeze %dma_start3A_125 : memref<1x1x128xi32, #tpu.memory_space<hbm>> -> memref<1x128xi32, #tpu.memory_space<hbm>>
      tpu.enqueue_dma source(%dma_start3A_126 : memref<1x128xi32, #tpu.memory_space<hbm>>) target(%arg9 : memref<1x128xi32, #tpu.memory_space<vmem>>) target_semaphore(%arg14 : memref<!tpu.dma_semaphore, #tpu.memory_space<semaphore_mem>>)
      %dma_wait3A_127 = arith.constant 0 : i32
      %dma_wait3A_128 = tpu.memref_slice %arg3[%add3A_91, %dma_wait3A_127] : memref<335872x128xf32, #tpu.memory_space<hbm>> -> memref<128x128xf32, #tpu.memory_space<hbm>>
      %dma_wait3A_129 = arith.constant 0 : i32
      %dma_wait3A_130 = tpu.memref_slice %arg3[%add3A_91, %dma_wait3A_129] : memref<335872x128xf32, #tpu.memory_space<hbm>> -> memref<128x128xf32, #tpu.memory_space<hbm>>
      tpu.wait_dma2 semaphore(%arg16 : memref<!tpu.dma_semaphore, #tpu.memory_space<semaphore_mem>>) src(%dma_wait3A_130 : memref<128x128xf32, #tpu.memory_space<hbm>>) dst(%arg12 : memref<128x128xf32, #tpu.memory_space<vmem>>)
      %dma_wait3A_131 = arith.constant 0 : i32
      %dma_wait3A_132 = tpu.memref_slice %arg6[%add3A_96, %dma_wait3A_131] : memref<41984x128xf32, #tpu.memory_space<hbm>> -> memref<16x128xf32, #tpu.memory_space<hbm>>
      %dma_wait3A_133 = arith.constant 0 : i32
      %dma_wait3A_134 = tpu.memref_slice %arg6[%add3A_96, %dma_wait3A_133] : memref<41984x128xf32, #tpu.memory_space<hbm>> -> memref<16x128xf32, #tpu.memory_space<hbm>>
      tpu.wait_dma2 semaphore(%arg16 : memref<!tpu.dma_semaphore, #tpu.memory_space<semaphore_mem>>) src(%dma_wait3A_134 : memref<16x128xf32, #tpu.memory_space<hbm>>) dst(%arg11 : memref<16x128xf32, #tpu.memory_space<vmem>>)
      %parallel_loop3A = arith.constant 0 : i32
      %parallel_loop3A_135 = arith.constant 128 : i32
      %parallel_loop3A_136 = arith.constant 1 : i32
      scf.for %parallel_loop3A_161 = %parallel_loop3A to %parallel_loop3A_135 step %parallel_loop3A_136  : i32 {
        %parallel_loop3A_162 = arith.constant 8 : i32
        %parallel_loop3A_163 = arith.divsi %parallel_loop3A_161, %parallel_loop3A_162 : i32
        %parallel_loop3A_164 = arith.constant 0 : i32
        %parallel_loop3A_165 = arith.cmpi sgt, %parallel_loop3A_161, %parallel_loop3A_164 : i32
        %parallel_loop3A_166 = arith.extui %parallel_loop3A_165 : i1 to i32
        %parallel_loop3A_167 = arith.constant 0 : i32
        %parallel_loop3A_168 = arith.cmpi slt, %parallel_loop3A_161, %parallel_loop3A_167 : i32
        %parallel_loop3A_169 = arith.extui %parallel_loop3A_168 : i1 to i32
        %parallel_loop3A_170 = arith.subi %parallel_loop3A_166, %parallel_loop3A_169 : i32
        %parallel_loop3A_171 = arith.constant 0 : i32
        %parallel_loop3A_172 = arith.cmpi sgt, %parallel_loop3A_162, %parallel_loop3A_171 : i32
        %parallel_loop3A_173 = arith.extui %parallel_loop3A_172 : i1 to i32
        %parallel_loop3A_174 = arith.constant 0 : i32
        %parallel_loop3A_175 = arith.cmpi slt, %parallel_loop3A_162, %parallel_loop3A_174 : i32
        %parallel_loop3A_176 = arith.extui %parallel_loop3A_175 : i1 to i32
        %parallel_loop3A_177 = arith.subi %parallel_loop3A_173, %parallel_loop3A_176 : i32
        %parallel_loop3A_178 = arith.cmpi ne, %parallel_loop3A_170, %parallel_loop3A_177 : i32
        %parallel_loop3A_179 = arith.remsi %parallel_loop3A_161, %parallel_loop3A_162 : i32
        %parallel_loop3A_180 = arith.constant 0 : i32
        %parallel_loop3A_181 = arith.cmpi ne, %parallel_loop3A_179, %parallel_loop3A_180 : i32
        %parallel_loop3A_182 = arith.andi %parallel_loop3A_178, %parallel_loop3A_181 : i1
        %parallel_loop3A_183 = arith.constant 1 : i32
        %parallel_loop3A_184 = arith.subi %parallel_loop3A_163, %parallel_loop3A_183 : i32
        %parallel_loop3A_185 = arith.select %parallel_loop3A_182, %parallel_loop3A_184, %parallel_loop3A_163 : i32
        %parallel_loop3A_186 = arith.constant 8 : i32
        %parallel_loop3A_187 = arith.constant 0 : i32
        %parallel_loop3A_188 = arith.cmpi eq, %parallel_loop3A_186, %parallel_loop3A_187 : i32
        %parallel_loop3A_189 = arith.constant 1 : i32
        %parallel_loop3A_190 = arith.select %parallel_loop3A_188, %parallel_loop3A_189, %parallel_loop3A_186 : i32
        %parallel_loop3A_191 = arith.remsi %parallel_loop3A_161, %parallel_loop3A_190 : i32
        %parallel_loop3A_192 = arith.constant 0 : i32
        %parallel_loop3A_193 = arith.cmpi ne, %parallel_loop3A_191, %parallel_loop3A_192 : i32
        %parallel_loop3A_194 = arith.constant 0 : i32
        %parallel_loop3A_195 = arith.cmpi slt, %parallel_loop3A_191, %parallel_loop3A_194 : i32
        %parallel_loop3A_196 = arith.constant 0 : i32
        %parallel_loop3A_197 = arith.cmpi slt, %parallel_loop3A_190, %parallel_loop3A_196 : i32
        %parallel_loop3A_198 = arith.xori %parallel_loop3A_195, %parallel_loop3A_197 : i1
        %parallel_loop3A_199 = arith.andi %parallel_loop3A_198, %parallel_loop3A_193 : i1
        %parallel_loop3A_200 = arith.addi %parallel_loop3A_191, %parallel_loop3A_190 : i32
        %parallel_loop3A_201 = arith.select %parallel_loop3A_199, %parallel_loop3A_200, %parallel_loop3A_191 : i32
        %parallel_loop3A_202 = arith.constant 16 : i32
        %parallel_loop3A_203 = arith.muli %parallel_loop3A_201, %parallel_loop3A_202 : i32
        %parallel_loop3A_204 = arith.index_cast %parallel_loop3A_185 : i32 to index
        %parallel_loop3A_205 = arith.index_cast %parallel_loop3A_203 : i32 to index
        %parallel_loop3A_206 = tpu.vector_load %arg11[%parallel_loop3A_204, %parallel_loop3A_205] {strides = array<i32>} : memref<16x128xf32, #tpu.memory_space<vmem>>, vector<1x16xf32>,
        %parallel_loop3A_207 = vector.shape_cast %parallel_loop3A_206 : vector<1x16xf32> to vector<16xf32>
        %parallel_loop3A_208 = arith.index_cast %parallel_loop3A_161 : i32 to index
        %parallel_loop3A_209 = arith.constant 0 : index
        %parallel_loop3A_210 = tpu.vector_load %arg13[%parallel_loop3A_208, %parallel_loop3A_209] {strides = array<i32>} : memref<128x128xf32, #tpu.memory_space<vmem>>, vector<1x16xf32>,
        %parallel_loop3A_211 = vector.shape_cast %parallel_loop3A_210 : vector<1x16xf32> to vector<16xf32>
        %parallel_loop3A_212 = arith.index_cast %parallel_loop3A_161 : i32 to index
        %parallel_loop3A_213 = arith.constant 0 : index
        %parallel_loop3A_214 = tpu.vector_load %arg12[%parallel_loop3A_212, %parallel_loop3A_213] {strides = array<i32>} : memref<128x128xf32, #tpu.memory_space<vmem>>, vector<1x16xf32>,
        %parallel_loop3A_215 = vector.shape_cast %parallel_loop3A_214 : vector<1x16xf32> to vector<16xf32>
        %parallel_loop3A_216 = arith.addf %parallel_loop3A_211, %parallel_loop3A_215 : vector<16xf32>
        %parallel_loop3A_217 = arith.mulf %parallel_loop3A_216, %parallel_loop3A_216 : vector<16xf32>
        %parallel_loop3A_218 = arith.constant -0.0713548139 : f32
        %parallel_loop3A_219 = vector.broadcast %parallel_loop3A_218 : f32 to vector<16xf32>
        %parallel_loop3A_220 = arith.mulf %parallel_loop3A_219, %parallel_loop3A_217 : vector<16xf32>
        %parallel_loop3A_221 = arith.constant -1.59576917 : f32
        %parallel_loop3A_222 = vector.broadcast %parallel_loop3A_221 : f32 to vector<16xf32>
        %parallel_loop3A_223 = arith.addf %parallel_loop3A_222, %parallel_loop3A_220 : vector<16xf32>
        %parallel_loop3A_224 = arith.mulf %parallel_loop3A_216, %parallel_loop3A_223 : vector<16xf32>
        %parallel_loop3A_225 = math.exp %parallel_loop3A_224 : vector<16xf32>
        %parallel_loop3A_226 = arith.mulf %parallel_loop3A_216, %parallel_loop3A_207 : vector<16xf32>
        %parallel_loop3A_227 = arith.constant 1.000000e+00 : f32
        %parallel_loop3A_228 = vector.broadcast %parallel_loop3A_227 : f32 to vector<16xf32>
        %parallel_loop3A_229 = arith.addf %parallel_loop3A_228, %parallel_loop3A_225 : vector<16xf32>
        %parallel_loop3A_230 = arith.divf %parallel_loop3A_226, %parallel_loop3A_229 : vector<16xf32>
        %parallel_loop3A_231 = arith.index_cast %parallel_loop3A_161 : i32 to index
        %parallel_loop3A_232 = arith.constant 0 : index
        %parallel_loop3A_233 = tpu.vector_load %arg13[%parallel_loop3A_231, %parallel_loop3A_232] {strides = array<i32>} : memref<128x128xf32, #tpu.memory_space<vmem>>, vector<1x16xf32>,
        %parallel_loop3A_234 = vector.shape_cast %parallel_loop3A_233 : vector<1x16xf32> to vector<16xf32>
        %parallel_loop3A_235 = vector.shape_cast %parallel_loop3A_230 : vector<16xf32> to vector<1x16xf32>
        tpu.vector_store %arg13[%parallel_loop3A_231, %parallel_loop3A_232], %parallel_loop3A_235 {strides = array<i32>} : memref<128x128xf32, #tpu.memory_space<vmem>>, vector<1x16xf32>,
        %parallel_loop3A_236 = arith.index_cast %parallel_loop3A_161 : i32 to index
        %parallel_loop3A_237 = arith.constant 16 : index
        %parallel_loop3A_238 = tpu.vector_load %arg13[%parallel_loop3A_236, %parallel_loop3A_237] {strides = array<i32>} : memref<128x128xf32, #tpu.memory_space<vmem>>, vector<1x16xf32>,
        %parallel_loop3A_239 = vector.shape_cast %parallel_loop3A_238 : vector<1x16xf32> to vector<16xf32>
        %parallel_loop3A_240 = arith.index_cast %parallel_loop3A_161 : i32 to index
        %parallel_loop3A_241 = arith.constant 16 : index
        %parallel_loop3A_242 = tpu.vector_load %arg12[%parallel_loop3A_240, %parallel_loop3A_241] {strides = array<i32>} : memref<128x128xf32, #tpu.memory_space<vmem>>, vector<1x16xf32>,
        %parallel_loop3A_243 = vector.shape_cast %parallel_loop3A_242 : vector<1x16xf32> to vector<16xf32>
        %parallel_loop3A_244 = arith.addf %parallel_loop3A_239, %parallel_loop3A_243 : vector<16xf32>
        %parallel_loop3A_245 = arith.mulf %parallel_loop3A_244, %parallel_loop3A_244 : vector<16xf32>
        %parallel_loop3A_246 = arith.constant -0.0713548139 : f32
        %parallel_loop3A_247 = vector.broadcast %parallel_loop3A_246 : f32 to vector<16xf32>
        %parallel_loop3A_248 = arith.mulf %parallel_loop3A_247, %parallel_loop3A_245 : vector<16xf32>
        %parallel_loop3A_249 = arith.constant -1.59576917 : f32
        %parallel_loop3A_250 = vector.broadcast %parallel_loop3A_249 : f32 to vector<16xf32>
        %parallel_loop3A_251 = arith.addf %parallel_loop3A_250, %parallel_loop3A_248 : vector<16xf32>
        %parallel_loop3A_252 = arith.mulf %parallel_loop3A_244, %parallel_loop3A_251 : vector<16xf32>
        %parallel_loop3A_253 = math.exp %parallel_loop3A_252 : vector<16xf32>
        %parallel_loop3A_254 = arith.mulf %parallel_loop3A_244, %parallel_loop3A_207 : vector<16xf32>
        %parallel_loop3A_255 = arith.constant 1.000000e+00 : f32
        %parallel_loop3A_256 = vector.broadcast %parallel_loop3A_255 : f32 to vector<16xf32>
        %parallel_loop3A_257 = arith.addf %parallel_loop3A_256, %parallel_loop3A_253 : vector<16xf32>
        %parallel_loop3A_258 = arith.divf %parallel_loop3A_254, %parallel_loop3A_257 : vector<16xf32>
        %parallel_loop3A_259 = arith.index_cast %parallel_loop3A_161 : i32 to index
        %parallel_loop3A_260 = arith.constant 16 : index
        %parallel_loop3A_261 = tpu.vector_load %arg13[%parallel_loop3A_259, %parallel_loop3A_260] {strides = array<i32>} : memref<128x128xf32, #tpu.memory_space<vmem>>, vector<1x16xf32>,
        %parallel_loop3A_262 = vector.shape_cast %parallel_loop3A_261 : vector<1x16xf32> to vector<16xf32>
        %parallel_loop3A_263 = vector.shape_cast %parallel_loop3A_258 : vector<16xf32> to vector<1x16xf32>
        tpu.vector_store %arg13[%parallel_loop3A_259, %parallel_loop3A_260], %parallel_loop3A_263 {strides = array<i32>} : memref<128x128xf32, #tpu.memory_space<vmem>>, vector<1x16xf32>,
        %parallel_loop3A_264 = arith.index_cast %parallel_loop3A_161 : i32 to index
        %parallel_loop3A_265 = arith.constant 32 : index
        %parallel_loop3A_266 = tpu.vector_load %arg13[%parallel_loop3A_264, %parallel_loop3A_265] {strides = array<i32>} : memref<128x128xf32, #tpu.memory_space<vmem>>, vector<1x16xf32>,
        %parallel_loop3A_267 = vector.shape_cast %parallel_loop3A_266 : vector<1x16xf32> to vector<16xf32>
        %parallel_loop3A_268 = arith.index_cast %parallel_loop3A_161 : i32 to index
        %parallel_loop3A_269 = arith.constant 32 : index
        %parallel_loop3A_270 = tpu.vector_load %arg12[%parallel_loop3A_268, %parallel_loop3A_269] {strides = array<i32>} : memref<128x128xf32, #tpu.memory_space<vmem>>, vector<1x16xf32>,
        %parallel_loop3A_271 = vector.shape_cast %parallel_loop3A_270 : vector<1x16xf32> to vector<16xf32>
        %parallel_loop3A_272 = arith.addf %parallel_loop3A_267, %parallel_loop3A_271 : vector<16xf32>
        %parallel_loop3A_273 = arith.mulf %parallel_loop3A_272, %parallel_loop3A_272 : vector<16xf32>
        %parallel_loop3A_274 = arith.constant -0.0713548139 : f32
        %parallel_loop3A_275 = vector.broadcast %parallel_loop3A_274 : f32 to vector<16xf32>
        %parallel_loop3A_276 = arith.mulf %parallel_loop3A_275, %parallel_loop3A_273 : vector<16xf32>
        %parallel_loop3A_277 = arith.constant -1.59576917 : f32
        %parallel_loop3A_278 = vector.broadcast %parallel_loop3A_277 : f32 to vector<16xf32>
        %parallel_loop3A_279 = arith.addf %parallel_loop3A_278, %parallel_loop3A_276 : vector<16xf32>
        %parallel_loop3A_280 = arith.mulf %parallel_loop3A_272, %parallel_loop3A_279 : vector<16xf32>
        %parallel_loop3A_281 = math.exp %parallel_loop3A_280 : vector<16xf32>
        %parallel_loop3A_282 = arith.mulf %parallel_loop3A_272, %parallel_loop3A_207 : vector<16xf32>
        %parallel_loop3A_283 = arith.constant 1.000000e+00 : f32
        %parallel_loop3A_284 = vector.broadcast %parallel_loop3A_283 : f32 to vector<16xf32>
        %parallel_loop3A_285 = arith.addf %parallel_loop3A_284, %parallel_loop3A_281 : vector<16xf32>
        %parallel_loop3A_286 = arith.divf %parallel_loop3A_282, %parallel_loop3A_285 : vector<16xf32>
        %parallel_loop3A_287 = arith.index_cast %parallel_loop3A_161 : i32 to index
        %parallel_loop3A_288 = arith.constant 32 : index
        %parallel_loop3A_289 = tpu.vector_load %arg13[%parallel_loop3A_287, %parallel_loop3A_288] {strides = array<i32>} : memref<128x128xf32, #tpu.memory_space<vmem>>, vector<1x16xf32>,
        %parallel_loop3A_290 = vector.shape_cast %parallel_loop3A_289 : vector<1x16xf32> to vector<16xf32>
        %parallel_loop3A_291 = vector.shape_cast %parallel_loop3A_286 : vector<16xf32> to vector<1x16xf32>
        tpu.vector_store %arg13[%parallel_loop3A_287, %parallel_loop3A_288], %parallel_loop3A_291 {strides = array<i32>} : memref<128x128xf32, #tpu.memory_space<vmem>>, vector<1x16xf32>,
        %parallel_loop3A_292 = arith.index_cast %parallel_loop3A_161 : i32 to index
        %parallel_loop3A_293 = arith.constant 48 : index
        %parallel_loop3A_294 = tpu.vector_load %arg13[%parallel_loop3A_292, %parallel_loop3A_293] {strides = array<i32>} : memref<128x128xf32, #tpu.memory_space<vmem>>, vector<1x16xf32>,
        %parallel_loop3A_295 = vector.shape_cast %parallel_loop3A_294 : vector<1x16xf32> to vector<16xf32>
        %parallel_loop3A_296 = arith.index_cast %parallel_loop3A_161 : i32 to index
        %parallel_loop3A_297 = arith.constant 48 : index
        %parallel_loop3A_298 = tpu.vector_load %arg12[%parallel_loop3A_296, %parallel_loop3A_297] {strides = array<i32>} : memref<128x128xf32, #tpu.memory_space<vmem>>, vector<1x16xf32>,
        %parallel_loop3A_299 = vector.shape_cast %parallel_loop3A_298 : vector<1x16xf32> to vector<16xf32>
        %parallel_loop3A_300 = arith.addf %parallel_loop3A_295, %parallel_loop3A_299 : vector<16xf32>
        %parallel_loop3A_301 = arith.mulf %parallel_loop3A_300, %parallel_loop3A_300 : vector<16xf32>
        %parallel_loop3A_302 = arith.constant -0.0713548139 : f32
        %parallel_loop3A_303 = vector.broadcast %parallel_loop3A_302 : f32 to vector<16xf32>
        %parallel_loop3A_304 = arith.mulf %parallel_loop3A_303, %parallel_loop3A_301 : vector<16xf32>
        %parallel_loop3A_305 = arith.constant -1.59576917 : f32
        %parallel_loop3A_306 = vector.broadcast %parallel_loop3A_305 : f32 to vector<16xf32>
        %parallel_loop3A_307 = arith.addf %parallel_loop3A_306, %parallel_loop3A_304 : vector<16xf32>
        %parallel_loop3A_308 = arith.mulf %parallel_loop3A_300, %parallel_loop3A_307 : vector<16xf32>
        %parallel_loop3A_309 = math.exp %parallel_loop3A_308 : vector<16xf32>
        %parallel_loop3A_310 = arith.mulf %parallel_loop3A_300, %parallel_loop3A_207 : vector<16xf32>
        %parallel_loop3A_311 = arith.constant 1.000000e+00 : f32
        %parallel_loop3A_312 = vector.broadcast %parallel_loop3A_311 : f32 to vector<16xf32>
        %parallel_loop3A_313 = arith.addf %parallel_loop3A_312, %parallel_loop3A_309 : vector<16xf32>
        %parallel_loop3A_314 = arith.divf %parallel_loop3A_310, %parallel_loop3A_313 : vector<16xf32>
        %parallel_loop3A_315 = arith.index_cast %parallel_loop3A_161 : i32 to index
        %parallel_loop3A_316 = arith.constant 48 : index
        %parallel_loop3A_317 = tpu.vector_load %arg13[%parallel_loop3A_315, %parallel_loop3A_316] {strides = array<i32>} : memref<128x128xf32, #tpu.memory_space<vmem>>, vector<1x16xf32>,
        %parallel_loop3A_318 = vector.shape_cast %parallel_loop3A_317 : vector<1x16xf32> to vector<16xf32>
        %parallel_loop3A_319 = vector.shape_cast %parallel_loop3A_314 : vector<16xf32> to vector<1x16xf32>
        tpu.vector_store %arg13[%parallel_loop3A_315, %parallel_loop3A_316], %parallel_loop3A_319 {strides = array<i32>} : memref<128x128xf32, #tpu.memory_space<vmem>>, vector<1x16xf32>,
        %parallel_loop3A_320 = arith.index_cast %parallel_loop3A_161 : i32 to index
        %parallel_loop3A_321 = arith.constant 64 : index
        %parallel_loop3A_322 = tpu.vector_load %arg13[%parallel_loop3A_320, %parallel_loop3A_321] {strides = array<i32>} : memref<128x128xf32, #tpu.memory_space<vmem>>, vector<1x16xf32>,
        %parallel_loop3A_323 = vector.shape_cast %parallel_loop3A_322 : vector<1x16xf32> to vector<16xf32>
        %parallel_loop3A_324 = arith.index_cast %parallel_loop3A_161 : i32 to index
        %parallel_loop3A_325 = arith.constant 64 : index
        %parallel_loop3A_326 = tpu.vector_load %arg12[%parallel_loop3A_324, %parallel_loop3A_325] {strides = array<i32>} : memref<128x128xf32, #tpu.memory_space<vmem>>, vector<1x16xf32>,
        %parallel_loop3A_327 = vector.shape_cast %parallel_loop3A_326 : vector<1x16xf32> to vector<16xf32>
        %parallel_loop3A_328 = arith.addf %parallel_loop3A_323, %parallel_loop3A_327 : vector<16xf32>
        %parallel_loop3A_329 = arith.mulf %parallel_loop3A_328, %parallel_loop3A_328 : vector<16xf32>
        %parallel_loop3A_330 = arith.constant -0.0713548139 : f32
        %parallel_loop3A_331 = vector.broadcast %parallel_loop3A_330 : f32 to vector<16xf32>
        %parallel_loop3A_332 = arith.mulf %parallel_loop3A_331, %parallel_loop3A_329 : vector<16xf32>
        %parallel_loop3A_333 = arith.constant -1.59576917 : f32
        %parallel_loop3A_334 = vector.broadcast %parallel_loop3A_333 : f32 to vector<16xf32>
        %parallel_loop3A_335 = arith.addf %parallel_loop3A_334, %parallel_loop3A_332 : vector<16xf32>
        %parallel_loop3A_336 = arith.mulf %parallel_loop3A_328, %parallel_loop3A_335 : vector<16xf32>
        %parallel_loop3A_337 = math.exp %parallel_loop3A_336 : vector<16xf32>
        %parallel_loop3A_338 = arith.mulf %parallel_loop3A_328, %parallel_loop3A_207 : vector<16xf32>
        %parallel_loop3A_339 = arith.constant 1.000000e+00 : f32
        %parallel_loop3A_340 = vector.broadcast %parallel_loop3A_339 : f32 to vector<16xf32>
        %parallel_loop3A_341 = arith.addf %parallel_loop3A_340, %parallel_loop3A_337 : vector<16xf32>
        %parallel_loop3A_342 = arith.divf %parallel_loop3A_338, %parallel_loop3A_341 : vector<16xf32>
        %parallel_loop3A_343 = arith.index_cast %parallel_loop3A_161 : i32 to index
        %parallel_loop3A_344 = arith.constant 64 : index
        %parallel_loop3A_345 = tpu.vector_load %arg13[%parallel_loop3A_343, %parallel_loop3A_344] {strides = array<i32>} : memref<128x128xf32, #tpu.memory_space<vmem>>, vector<1x16xf32>,
        %parallel_loop3A_346 = vector.shape_cast %parallel_loop3A_345 : vector<1x16xf32> to vector<16xf32>
        %parallel_loop3A_347 = vector.shape_cast %parallel_loop3A_342 : vector<16xf32> to vector<1x16xf32>
        tpu.vector_store %arg13[%parallel_loop3A_343, %parallel_loop3A_344], %parallel_loop3A_347 {strides = array<i32>} : memref<128x128xf32, #tpu.memory_space<vmem>>, vector<1x16xf32>,
        %parallel_loop3A_348 = arith.index_cast %parallel_loop3A_161 : i32 to index
        %parallel_loop3A_349 = arith.constant 80 : index
        %parallel_loop3A_350 = tpu.vector_load %arg13[%parallel_loop3A_348, %parallel_loop3A_349] {strides = array<i32>} : memref<128x128xf32, #tpu.memory_space<vmem>>, vector<1x16xf32>,
        %parallel_loop3A_351 = vector.shape_cast %parallel_loop3A_350 : vector<1x16xf32> to vector<16xf32>
        %parallel_loop3A_352 = arith.index_cast %parallel_loop3A_161 : i32 to index
        %parallel_loop3A_353 = arith.constant 80 : index
        %parallel_loop3A_354 = tpu.vector_load %arg12[%parallel_loop3A_352, %parallel_loop3A_353] {strides = array<i32>} : memref<128x128xf32, #tpu.memory_space<vmem>>, vector<1x16xf32>,
        %parallel_loop3A_355 = vector.shape_cast %parallel_loop3A_354 : vector<1x16xf32> to vector<16xf32>
        %parallel_loop3A_356 = arith.addf %parallel_loop3A_351, %parallel_loop3A_355 : vector<16xf32>
        %parallel_loop3A_357 = arith.mulf %parallel_loop3A_356, %parallel_loop3A_356 : vector<16xf32>
        %parallel_loop3A_358 = arith.constant -0.0713548139 : f32
        %parallel_loop3A_359 = vector.broadcast %parallel_loop3A_358 : f32 to vector<16xf32>
        %parallel_loop3A_360 = arith.mulf %parallel_loop3A_359, %parallel_loop3A_357 : vector<16xf32>
        %parallel_loop3A_361 = arith.constant -1.59576917 : f32
        %parallel_loop3A_362 = vector.broadcast %parallel_loop3A_361 : f32 to vector<16xf32>
        %parallel_loop3A_363 = arith.addf %parallel_loop3A_362, %parallel_loop3A_360 : vector<16xf32>
        %parallel_loop3A_364 = arith.mulf %parallel_loop3A_356, %parallel_loop3A_363 : vector<16xf32>
        %parallel_loop3A_365 = math.exp %parallel_loop3A_364 : vector<16xf32>
        %parallel_loop3A_366 = arith.mulf %parallel_loop3A_356, %parallel_loop3A_207 : vector<16xf32>
        %parallel_loop3A_367 = arith.constant 1.000000e+00 : f32
        %parallel_loop3A_368 = vector.broadcast %parallel_loop3A_367 : f32 to vector<16xf32>
        %parallel_loop3A_369 = arith.addf %parallel_loop3A_368, %parallel_loop3A_365 : vector<16xf32>
        %parallel_loop3A_370 = arith.divf %parallel_loop3A_366, %parallel_loop3A_369 : vector<16xf32>
        %parallel_loop3A_371 = arith.index_cast %parallel_loop3A_161 : i32 to index
        %parallel_loop3A_372 = arith.constant 80 : index
        %parallel_loop3A_373 = tpu.vector_load %arg13[%parallel_loop3A_371, %parallel_loop3A_372] {strides = array<i32>} : memref<128x128xf32, #tpu.memory_space<vmem>>, vector<1x16xf32>,
        %parallel_loop3A_374 = vector.shape_cast %parallel_loop3A_373 : vector<1x16xf32> to vector<16xf32>
        %parallel_loop3A_375 = vector.shape_cast %parallel_loop3A_370 : vector<16xf32> to vector<1x16xf32>
        tpu.vector_store %arg13[%parallel_loop3A_371, %parallel_loop3A_372], %parallel_loop3A_375 {strides = array<i32>} : memref<128x128xf32, #tpu.memory_space<vmem>>, vector<1x16xf32>,
        %parallel_loop3A_376 = arith.index_cast %parallel_loop3A_161 : i32 to index
        %parallel_loop3A_377 = arith.constant 96 : index
        %parallel_loop3A_378 = tpu.vector_load %arg13[%parallel_loop3A_376, %parallel_loop3A_377] {strides = array<i32>} : memref<128x128xf32, #tpu.memory_space<vmem>>, vector<1x16xf32>,
        %parallel_loop3A_379 = vector.shape_cast %parallel_loop3A_378 : vector<1x16xf32> to vector<16xf32>
        %parallel_loop3A_380 = arith.index_cast %parallel_loop3A_161 : i32 to index
        %parallel_loop3A_381 = arith.constant 96 : index
        %parallel_loop3A_382 = tpu.vector_load %arg12[%parallel_loop3A_380, %parallel_loop3A_381] {strides = array<i32>} : memref<128x128xf32, #tpu.memory_space<vmem>>, vector<1x16xf32>,
        %parallel_loop3A_383 = vector.shape_cast %parallel_loop3A_382 : vector<1x16xf32> to vector<16xf32>
        %parallel_loop3A_384 = arith.addf %parallel_loop3A_379, %parallel_loop3A_383 : vector<16xf32>
        %parallel_loop3A_385 = arith.mulf %parallel_loop3A_384, %parallel_loop3A_384 : vector<16xf32>
        %parallel_loop3A_386 = arith.constant -0.0713548139 : f32
        %parallel_loop3A_387 = vector.broadcast %parallel_loop3A_386 : f32 to vector<16xf32>
        %parallel_loop3A_388 = arith.mulf %parallel_loop3A_387, %parallel_loop3A_385 : vector<16xf32>
        %parallel_loop3A_389 = arith.constant -1.59576917 : f32
        %parallel_loop3A_390 = vector.broadcast %parallel_loop3A_389 : f32 to vector<16xf32>
        %parallel_loop3A_391 = arith.addf %parallel_loop3A_390, %parallel_loop3A_388 : vector<16xf32>
        %parallel_loop3A_392 = arith.mulf %parallel_loop3A_384, %parallel_loop3A_391 : vector<16xf32>
        %parallel_loop3A_393 = math.exp %parallel_loop3A_392 : vector<16xf32>
        %parallel_loop3A_394 = arith.mulf %parallel_loop3A_384, %parallel_loop3A_207 : vector<16xf32>
        %parallel_loop3A_395 = arith.constant 1.000000e+00 : f32
        %parallel_loop3A_396 = vector.broadcast %parallel_loop3A_395 : f32 to vector<16xf32>
        %parallel_loop3A_397 = arith.addf %parallel_loop3A_396, %parallel_loop3A_393 : vector<16xf32>
        %parallel_loop3A_398 = arith.divf %parallel_loop3A_394, %parallel_loop3A_397 : vector<16xf32>
        %parallel_loop3A_399 = arith.index_cast %parallel_loop3A_161 : i32 to index
        %parallel_loop3A_400 = arith.constant 96 : index
        %parallel_loop3A_401 = tpu.vector_load %arg13[%parallel_loop3A_399, %parallel_loop3A_400] {strides = array<i32>} : memref<128x128xf32, #tpu.memory_space<vmem>>, vector<1x16xf32>,
        %parallel_loop3A_402 = vector.shape_cast %parallel_loop3A_401 : vector<1x16xf32> to vector<16xf32>
        %parallel_loop3A_403 = vector.shape_cast %parallel_loop3A_398 : vector<16xf32> to vector<1x16xf32>
        tpu.vector_store %arg13[%parallel_loop3A_399, %parallel_loop3A_400], %parallel_loop3A_403 {strides = array<i32>} : memref<128x128xf32, #tpu.memory_space<vmem>>, vector<1x16xf32>,
        %parallel_loop3A_404 = arith.index_cast %parallel_loop3A_161 : i32 to index
        %parallel_loop3A_405 = arith.constant 112 : index
        %parallel_loop3A_406 = tpu.vector_load %arg13[%parallel_loop3A_404, %parallel_loop3A_405] {strides = array<i32>} : memref<128x128xf32, #tpu.memory_space<vmem>>, vector<1x16xf32>,
        %parallel_loop3A_407 = vector.shape_cast %parallel_loop3A_406 : vector<1x16xf32> to vector<16xf32>
        %parallel_loop3A_408 = arith.index_cast %parallel_loop3A_161 : i32 to index
        %parallel_loop3A_409 = arith.constant 112 : index
        %parallel_loop3A_410 = tpu.vector_load %arg12[%parallel_loop3A_408, %parallel_loop3A_409] {strides = array<i32>} : memref<128x128xf32, #tpu.memory_space<vmem>>, vector<1x16xf32>,
        %parallel_loop3A_411 = vector.shape_cast %parallel_loop3A_410 : vector<1x16xf32> to vector<16xf32>
        %parallel_loop3A_412 = arith.addf %parallel_loop3A_407, %parallel_loop3A_411 : vector<16xf32>
        %parallel_loop3A_413 = arith.mulf %parallel_loop3A_412, %parallel_loop3A_412 : vector<16xf32>
        %parallel_loop3A_414 = arith.constant -0.0713548139 : f32
        %parallel_loop3A_415 = vector.broadcast %parallel_loop3A_414 : f32 to vector<16xf32>
        %parallel_loop3A_416 = arith.mulf %parallel_loop3A_415, %parallel_loop3A_413 : vector<16xf32>
        %parallel_loop3A_417 = arith.constant -1.59576917 : f32
        %parallel_loop3A_418 = vector.broadcast %parallel_loop3A_417 : f32 to vector<16xf32>
        %parallel_loop3A_419 = arith.addf %parallel_loop3A_418, %parallel_loop3A_416 : vector<16xf32>
        %parallel_loop3A_420 = arith.mulf %parallel_loop3A_412, %parallel_loop3A_419 : vector<16xf32>
        %parallel_loop3A_421 = math.exp %parallel_loop3A_420 : vector<16xf32>
        %parallel_loop3A_422 = arith.mulf %parallel_loop3A_412, %parallel_loop3A_207 : vector<16xf32>
        %parallel_loop3A_423 = arith.constant 1.000000e+00 : f32
        %parallel_loop3A_424 = vector.broadcast %parallel_loop3A_423 : f32 to vector<16xf32>
        %parallel_loop3A_425 = arith.addf %parallel_loop3A_424, %parallel_loop3A_421 : vector<16xf32>
        %parallel_loop3A_426 = arith.divf %parallel_loop3A_422, %parallel_loop3A_425 : vector<16xf32>
        %parallel_loop3A_427 = arith.index_cast %parallel_loop3A_161 : i32 to index
        %parallel_loop3A_428 = arith.constant 112 : index
        %parallel_loop3A_429 = tpu.vector_load %arg13[%parallel_loop3A_427, %parallel_loop3A_428] {strides = array<i32>} : memref<128x128xf32, #tpu.memory_space<vmem>>, vector<1x16xf32>,
        %parallel_loop3A_430 = vector.shape_cast %parallel_loop3A_429 : vector<1x16xf32> to vector<16xf32>
        %parallel_loop3A_431 = vector.shape_cast %parallel_loop3A_426 : vector<16xf32> to vector<1x16xf32>
        tpu.vector_store %arg13[%parallel_loop3A_427, %parallel_loop3A_428], %parallel_loop3A_431 {strides = array<i32>} : memref<128x128xf32, #tpu.memory_space<vmem>>, vector<1x16xf32>,
      } {sc.loop_unroll_factor = 2 : i64, sc.parallel_access}
      %dma_start3A_137 = arith.constant 0 : i32
      %dma_start3A_138 = tpu.memref_slice %arg3[%add3A_91, %dma_start3A_137] : memref<335872x128xf32, #tpu.memory_space<hbm>> -> memref<128x128xf32, #tpu.memory_space<hbm>>
      %dma_start3A_139 = arith.constant 0 : i32
      %dma_start3A_140 = tpu.memref_slice %arg3[%add3A_91, %dma_start3A_139] : memref<335872x128xf32, #tpu.memory_space<hbm>> -> memref<128x128xf32, #tpu.memory_space<hbm>>
      tpu.enqueue_dma source(%dma_start3A_140 : memref<128x128xf32, #tpu.memory_space<hbm>>) target(%arg12 : memref<128x128xf32, #tpu.memory_space<vmem>>) target_semaphore(%arg16 : memref<!tpu.dma_semaphore, #tpu.memory_space<semaphore_mem>>)
      %dma_start3A_141 = arith.constant 0 : i32
      %dma_start3A_142 = tpu.memref_slice %arg6[%add3A_96, %dma_start3A_141] : memref<41984x128xf32, #tpu.memory_space<hbm>> -> memref<16x128xf32, #tpu.memory_space<hbm>>
      %dma_start3A_143 = arith.constant 0 : i32
      %dma_start3A_144 = tpu.memref_slice %arg6[%add3A_96, %dma_start3A_143] : memref<41984x128xf32, #tpu.memory_space<hbm>> -> memref<16x128xf32, #tpu.memory_space<hbm>>
      tpu.enqueue_dma source(%dma_start3A_144 : memref<16x128xf32, #tpu.memory_space<hbm>>) target(%arg11 : memref<16x128xf32, #tpu.memory_space<vmem>>) target_semaphore(%arg16 : memref<!tpu.dma_semaphore, #tpu.memory_space<semaphore_mem>>)
      %dma_wait3A_145 = arith.constant 0 : i32
      %dma_wait3A_146 = arith.constant 0 : i32
      %dma_wait3A_147 = tpu.memref_slice %arg5[%add3A, %dma_wait3A_145, %dma_wait3A_146] : memref<2562x1x128xi32, #tpu.memory_space<hbm>> -> memref<1x1x128xi32, #tpu.memory_space<hbm>>
      %dma_wait3A_148 = tpu.memref_squeeze %dma_wait3A_147 : memref<1x1x128xi32, #tpu.memory_space<hbm>> -> memref<1x128xi32, #tpu.memory_space<hbm>>
      %dma_wait3A_149 = arith.constant 0 : i32
      %dma_wait3A_150 = arith.constant 0 : i32
      %dma_wait3A_151 = tpu.memref_slice %arg5[%add3A, %dma_wait3A_149, %dma_wait3A_150] : memref<2562x1x128xi32, #tpu.memory_space<hbm>> -> memref<1x1x128xi32, #tpu.memory_space<hbm>>
      %dma_wait3A_152 = tpu.memref_squeeze %dma_wait3A_151 : memref<1x1x128xi32, #tpu.memory_space<hbm>> -> memref<1x128xi32, #tpu.memory_space<hbm>>
      tpu.wait_dma2 semaphore(%arg15 : memref<!tpu.dma_semaphore, #tpu.memory_space<semaphore_mem>>) src(%dma_wait3A_152 : memref<1x128xi32, #tpu.memory_space<hbm>>) dst(%arg10 : memref<1x128xi32, #tpu.memory_space<vmem>>)
      %run_scoped3A = arith.constant 0 : i32
      "tpu.region"() ({
        %run_scoped3A_161 = tpu.sem_alloc : memref<!tpu.dma_semaphore, #tpu.memory_space<semaphore_mem>>
        %dma_start3A_162 = arith.constant 0 : i32
        %dma_start3A_163 = tpu.memref_slice %arg10[%run_scoped3A, %dma_start3A_162] : memref<1x128xi32, #tpu.memory_space<vmem>> -> memref<1x128xi32, #tpu.memory_space<vmem>>
        %dma_start3A_164 = tpu.memref_squeeze %dma_start3A_163 : memref<1x128xi32, #tpu.memory_space<vmem>> -> memref<128xi32, #tpu.memory_space<vmem>>
        %dma_start3A_165 = arith.constant 0 : i32
        %dma_start3A_166 = arith.constant 0 : i32
        %dma_start3A_167 = tpu.memref_slice %arg8[%dma_start3A_165, %dma_start3A_166] : memref<10240x128xf32, #tpu.memory_space<vmem_shared>> -> memref<10240x128xf32, #tpu.memory_space<vmem_shared>>
        tpu.enqueue_indirect_dma source(%arg13 : memref<128x128xf32, #tpu.memory_space<vmem>>) target(%dma_start3A_167 : memref<10240x128xf32, #tpu.memory_space<vmem_shared>>) offsets(%dma_start3A_164 : memref<128xi32, #tpu.memory_space<vmem>>) semaphore(%run_scoped3A_161 : memref<!tpu.dma_semaphore, #tpu.memory_space<semaphore_mem>>) {add = true}
        %dma_wait3A_168 = arith.constant 0 : i32
        %dma_wait3A_169 = tpu.memref_slice %arg10[%run_scoped3A, %dma_wait3A_168] : memref<1x128xi32, #tpu.memory_space<vmem>> -> memref<1x128xi32, #tpu.memory_space<vmem>>
        %dma_wait3A_170 = tpu.memref_squeeze %dma_wait3A_169 : memref<1x128xi32, #tpu.memory_space<vmem>> -> memref<128xi32, #tpu.memory_space<vmem>>
        %dma_wait3A_171 = arith.constant 0 : i32
        %dma_wait3A_172 = arith.constant 0 : i32
        %dma_wait3A_173 = tpu.memref_slice %arg8[%dma_wait3A_171, %dma_wait3A_172] : memref<10240x128xf32, #tpu.memory_space<vmem_shared>> -> memref<10240x128xf32, #tpu.memory_space<vmem_shared>>
        tpu.wait_indirect_dma semaphore(%run_scoped3A_161 : memref<!tpu.dma_semaphore, #tpu.memory_space<semaphore_mem>>) src(%arg13 : memref<128x128xf32, #tpu.memory_space<vmem>>) dst(%dma_wait3A_173 : memref<10240x128xf32, #tpu.memory_space<vmem_shared>>)
        tpu.yield
      }) : () -> ()
      %dma_start3A_153 = arith.constant 0 : i32
      %dma_start3A_154 = arith.constant 0 : i32
      %dma_start3A_155 = tpu.memref_slice %arg5[%add3A_86, %dma_start3A_153, %dma_start3A_154] : memref<2562x1x128xi32, #tpu.memory_space<hbm>> -> memref<1x1x128xi32, #tpu.memory_space<hbm>>
      %dma_start3A_156 = tpu.memref_squeeze %dma_start3A_155 : memref<1x1x128xi32, #tpu.memory_space<hbm>> -> memref<1x128xi32, #tpu.memory_space<hbm>>
      %dma_start3A_157 = arith.constant 0 : i32
      %dma_start3A_158 = arith.constant 0 : i32
      %dma_start3A_159 = tpu.memref_slice %arg5[%add3A_86, %dma_start3A_157, %dma_start3A_158] : memref<2562x1x128xi32, #tpu.memory_space<hbm>> -> memref<1x1x128xi32, #tpu.memory_space<hbm>>
      %dma_start3A_160 = tpu.memref_squeeze %dma_start3A_159 : memref<1x1x128xi32, #tpu.memory_space<hbm>> -> memref<1x128xi32, #tpu.memory_space<hbm>>
      tpu.enqueue_dma source(%dma_start3A_160 : memref<1x128xi32, #tpu.memory_space<hbm>>) target(%arg10 : memref<1x128xi32, #tpu.memory_space<vmem>>) target_semaphore(%arg15 : memref<!tpu.dma_semaphore, #tpu.memory_space<semaphore_mem>>)
    }
    %scan3A_58 = arith.constant 80 : i32
    %dma_wait3A = arith.constant 0 : i32
    %dma_wait3A_59 = arith.constant 0 : i32
    %dma_wait3A_60 = tpu.memref_slice %arg4[%add3A, %dma_wait3A, %dma_wait3A_59] : memref<2562x1x128xi32, #tpu.memory_space<hbm>> -> memref<1x1x128xi32, #tpu.memory_space<hbm>>
    %dma_wait3A_61 = tpu.memref_squeeze %dma_wait3A_60 : memref<1x1x128xi32, #tpu.memory_space<hbm>> -> memref<1x128xi32, #tpu.memory_space<hbm>>
    %dma_wait3A_62 = arith.constant 0 : i32
    %dma_wait3A_63 = arith.constant 0 : i32
    %dma_wait3A_64 = tpu.memref_slice %arg4[%add3A, %dma_wait3A_62, %dma_wait3A_63] : memref<2562x1x128xi32, #tpu.memory_space<hbm>> -> memref<1x1x128xi32, #tpu.memory_space<hbm>>
    %dma_wait3A_65 = tpu.memref_squeeze %dma_wait3A_64 : memref<1x1x128xi32, #tpu.memory_space<hbm>> -> memref<1x128xi32, #tpu.memory_space<hbm>>
    tpu.wait_dma2 semaphore(%arg14 : memref<!tpu.dma_semaphore, #tpu.memory_space<semaphore_mem>>) src(%dma_wait3A_65 : memref<1x128xi32, #tpu.memory_space<hbm>>) dst(%arg9 : memref<1x128xi32, #tpu.memory_space<vmem>>)
    %dma_wait3A_66 = arith.constant 0 : i32
    %dma_wait3A_67 = arith.constant 0 : i32
    %dma_wait3A_68 = tpu.memref_slice %arg5[%add3A, %dma_wait3A_66, %dma_wait3A_67] : memref<2562x1x128xi32, #tpu.memory_space<hbm>> -> memref<1x1x128xi32, #tpu.memory_space<hbm>>
    %dma_wait3A_69 = tpu.memref_squeeze %dma_wait3A_68 : memref<1x1x128xi32, #tpu.memory_space<hbm>> -> memref<1x128xi32, #tpu.memory_space<hbm>>
    %dma_wait3A_70 = arith.constant 0 : i32
    %dma_wait3A_71 = arith.constant 0 : i32
    %dma_wait3A_72 = tpu.memref_slice %arg5[%add3A, %dma_wait3A_70, %dma_wait3A_71] : memref<2562x1x128xi32, #tpu.memory_space<hbm>> -> memref<1x1x128xi32, #tpu.memory_space<hbm>>
    %dma_wait3A_73 = tpu.memref_squeeze %dma_wait3A_72 : memref<1x1x128xi32, #tpu.memory_space<hbm>> -> memref<1x128xi32, #tpu.memory_space<hbm>>
    tpu.wait_dma2 semaphore(%arg15 : memref<!tpu.dma_semaphore, #tpu.memory_space<semaphore_mem>>) src(%dma_wait3A_73 : memref<1x128xi32, #tpu.memory_space<hbm>>) dst(%arg10 : memref<1x128xi32, #tpu.memory_space<vmem>>)
    %dma_wait3A_74 = arith.constant 0 : i32
    %dma_wait3A_75 = tpu.memref_slice %arg3[%add3A_9, %dma_wait3A_74] : memref<335872x128xf32, #tpu.memory_space<hbm>> -> memref<128x128xf32, #tpu.memory_space<hbm>>
    %dma_wait3A_76 = arith.constant 0 : i32
    %dma_wait3A_77 = tpu.memref_slice %arg3[%add3A_9, %dma_wait3A_76] : memref<335872x128xf32, #tpu.memory_space<hbm>> -> memref<128x128xf32, #tpu.memory_space<hbm>>
    tpu.wait_dma2 semaphore(%arg16 : memref<!tpu.dma_semaphore, #tpu.memory_space<semaphore_mem>>) src(%dma_wait3A_77 : memref<128x128xf32, #tpu.memory_space<hbm>>) dst(%arg12 : memref<128x128xf32, #tpu.memory_space<vmem>>)
    %dma_wait3A_78 = arith.constant 0 : i32
    %dma_wait3A_79 = tpu.memref_slice %arg6[%add3A_14, %dma_wait3A_78] : memref<41984x128xf32, #tpu.memory_space<hbm>> -> memref<16x128xf32, #tpu.memory_space<hbm>>
    %dma_wait3A_80 = arith.constant 0 : i32
    %dma_wait3A_81 = tpu.memref_slice %arg6[%add3A_14, %dma_wait3A_80] : memref<41984x128xf32, #tpu.memory_space<hbm>> -> memref<16x128xf32, #tpu.memory_space<hbm>>
    tpu.wait_dma2 semaphore(%arg16 : memref<!tpu.dma_semaphore, #tpu.memory_space<semaphore_mem>>) src(%dma_wait3A_81 : memref<16x128xf32, #tpu.memory_space<hbm>>) dst(%arg11 : memref<16x128xf32, #tpu.memory_space<vmem>>)
    %barrier3A_82 = arith.constant 0 : index
    tpu.barrier barrier_id(%barrier3A_82)
    "tpu.region"() ({
      %run_scoped3A = tpu.sem_alloc : memref<!tpu.dma_semaphore, #tpu.memory_space<semaphore_mem>>
      %dma_start3A_83 = arith.constant 0 : i32
      %dma_start3A_84 = tpu.memref_slice %arg7[%arg0, %mul3A_0, %dma_start3A_83] : memref<2x10240x128xf32, #tpu.memory_space<hbm>> -> memref<1x640x128xf32, #tpu.memory_space<hbm>>
      %dma_start3A_85 = tpu.memref_squeeze %dma_start3A_84 : memref<1x640x128xf32, #tpu.memory_space<hbm>> -> memref<640x128xf32, #tpu.memory_space<hbm>>
      %dma_start3A_86 = arith.constant 0 : i32
      %dma_start3A_87 = tpu.memref_slice %arg8[%mul3A_0, %dma_start3A_86] : memref<10240x128xf32, #tpu.memory_space<vmem_shared>> -> memref<640x128xf32, #tpu.memory_space<vmem_shared>>
      tpu.enqueue_dma source(%dma_start3A_87 : memref<640x128xf32, #tpu.memory_space<vmem_shared>>) target(%dma_start3A_85 : memref<640x128xf32, #tpu.memory_space<hbm>>) target_semaphore(%run_scoped3A : memref<!tpu.dma_semaphore, #tpu.memory_space<semaphore_mem>>)
      %dma_wait3A_88 = arith.constant 0 : i32
      %dma_wait3A_89 = tpu.memref_slice %arg7[%arg0, %mul3A_0, %dma_wait3A_88] : memref<2x10240x128xf32, #tpu.memory_space<hbm>> -> memref<1x640x128xf32, #tpu.memory_space<hbm>>
      %dma_wait3A_90 = tpu.memref_squeeze %dma_wait3A_89 : memref<1x640x128xf32, #tpu.memory_space<hbm>> -> memref<640x128xf32, #tpu.memory_space<hbm>>
      %dma_wait3A_91 = arith.constant 0 : i32
      %dma_wait3A_92 = tpu.memref_slice %arg8[%mul3A_0, %dma_wait3A_91] : memref<10240x128xf32, #tpu.memory_space<vmem_shared>> -> memref<640x128xf32, #tpu.memory_space<vmem_shared>>
      tpu.wait_dma2 semaphore(%run_scoped3A : memref<!tpu.dma_semaphore, #tpu.memory_space<semaphore_mem>>) src(%dma_wait3A_92 : memref<640x128xf32, #tpu.memory_space<vmem_shared>>) dst(%dma_wait3A_90 : memref<640x128xf32, #tpu.memory_space<hbm>>)
      tpu.yield
    }) : () -> ()
    return
  }
}

module attributes {stable_mosaic.version = 14 : i64} {
  func.func @_edge_body(%arg0: i32, %arg1: memref<8192x16xf32, #tpu.memory_space<vmem>>, %arg2: memref<16x128xf32, #tpu.memory_space<vmem>>, %arg3: memref<1x128xf32, #tpu.memory_space<vmem>>, %arg4: memref<128x128xf32, #tpu.memory_space<vmem>>, %arg5: memref<1x128xf32, #tpu.memory_space<vmem>>, %arg6: memref<8192x128xf32, #tpu.memory_space<vmem>>) attributes {dimension_semantics = [#tpu.dimension_semantics<arbitrary>], iteration_bounds = array<i64: 41>, scalar_prefetch = 0 : i64, scratch_operands = 0 : i64, tpu.core_type = #tpu.core_type<tc>, window_params = [{transform_indices = @transform_0, window_bounds = array<i64: 8192, 16>}, {pipeline_mode = #tpu.pipeline_mode<synchronous>, transform_indices = @transform_1, window_bounds = array<i64: 16, 128>}, {pipeline_mode = #tpu.pipeline_mode<synchronous>, transform_indices = @transform_2, window_bounds = array<i64: 1, 128>}, {pipeline_mode = #tpu.pipeline_mode<synchronous>, transform_indices = @transform_3, window_bounds = array<i64: 128, 128>}, {pipeline_mode = #tpu.pipeline_mode<synchronous>, transform_indices = @transform_4, window_bounds = array<i64: 1, 128>}, {transform_indices = @transform_5, window_bounds = array<i64: 8192, 128>}]} {
    %get3A = arith.constant 0 : index
    %get3A_0 = arith.constant 0 : index
    %get3A_1 = vector.load %arg1[%get3A, %get3A_0] : memref<8192x16xf32, #tpu.memory_space<vmem>>, vector<8192x16xf32>
    %get3A_2 = arith.constant 0 : index
    %get3A_3 = arith.constant 0 : index
    %get3A_4 = vector.load %arg2[%get3A_2, %get3A_3] : memref<16x128xf32, #tpu.memory_space<vmem>>, vector<16x128xf32>
    %dot_general3A = arith.constant dense<0.000000e+00> : vector<8192x128xf32>
    %dot_general3A_5 = tpu.matmul %get3A_1, %get3A_4, %dot_general3A {dimension_numbers = #tpu.dot_dimension_numbers<[1], [0], [0], [1], [0, 0, 1, 1], [], []>, transpose_lhs_hint = false} : vector<8192x16xf32>, vector<16x128xf32>, vector<8192x128xf32> -> vector<8192x128xf32>
    %get3A_6 = arith.constant 0 : index
    %get3A_7 = arith.constant 0 : index
    %get3A_8 = vector.load %arg3[%get3A_6, %get3A_7] : memref<1x128xf32, #tpu.memory_space<vmem>>, vector<1x128xf32>
    %add3A = vector.broadcast %get3A_8 : vector<1x128xf32> to vector<8192x128xf32>
    %add3A_9 = arith.addf %dot_general3A_5, %add3A : vector<8192x128xf32>
    %max3A = arith.constant 0.000000e+00 : f32
    %max3A_10 = vector.broadcast %max3A : f32 to vector<8192x128xf32>
    %max3A_11 = arith.maximumf %add3A_9, %max3A_10 : vector<8192x128xf32>
    %get3A_12 = arith.constant 0 : index
    %get3A_13 = arith.constant 0 : index
    %get3A_14 = vector.load %arg4[%get3A_12, %get3A_13] : memref<128x128xf32, #tpu.memory_space<vmem>>, vector<128x128xf32>
    %dot_general3A_15 = arith.constant dense<0.000000e+00> : vector<8192x128xf32>
    %dot_general3A_16 = tpu.matmul %max3A_11, %get3A_14, %dot_general3A_15 {dimension_numbers = #tpu.dot_dimension_numbers<[1], [0], [0], [1], [0, 0, 1, 1], [], []>, transpose_lhs_hint = false} : vector<8192x128xf32>, vector<128x128xf32>, vector<8192x128xf32> -> vector<8192x128xf32>
    %get3A_17 = arith.constant 0 : index
    %get3A_18 = arith.constant 0 : index
    %get3A_19 = vector.load %arg5[%get3A_17, %get3A_18] : memref<1x128xf32, #tpu.memory_space<vmem>>, vector<1x128xf32>
    %add3A_20 = vector.broadcast %get3A_19 : vector<1x128xf32> to vector<8192x128xf32>
    %add3A_21 = arith.addf %dot_general3A_16, %add3A_20 : vector<8192x128xf32>
    %swap3A = arith.constant 0 : index
    %swap3A_22 = arith.constant 0 : index
    %swap3A_23 = vector.load %arg6[%swap3A, %swap3A_22] : memref<8192x128xf32, #tpu.memory_space<vmem>>, vector<8192x128xf32>
    tpu.vector_store %arg6[%swap3A, %swap3A_22], %add3A_21 {strides = array<i32>} : memref<8192x128xf32, #tpu.memory_space<vmem>>, vector<8192x128xf32>,
    return
  }
  func.func @transform_0(%arg0: i32) -> (i32, i32) {
    %c0_i32 = arith.constant 0 : i32
    %c0_i32_0 = arith.constant 0 : i32
    return %arg0, %c0_i32 : i32, i32
  }
  func.func @transform_1(%arg0: i32) -> (i32, i32) {
    %c0_i32 = arith.constant 0 : i32
    %c0_i32_0 = arith.constant 0 : i32
    %c0_i32_1 = arith.constant 0 : i32
    return %c0_i32, %c0_i32_0 : i32, i32
  }
  func.func @transform_2(%arg0: i32) -> (i32, i32) {
    %c0_i32 = arith.constant 0 : i32
    %c0_i32_0 = arith.constant 0 : i32
    %c0_i32_1 = arith.constant 0 : i32
    return %c0_i32, %c0_i32_0 : i32, i32
  }
  func.func @transform_3(%arg0: i32) -> (i32, i32) {
    %c0_i32 = arith.constant 0 : i32
    %c0_i32_0 = arith.constant 0 : i32
    %c0_i32_1 = arith.constant 0 : i32
    return %c0_i32, %c0_i32_0 : i32, i32
  }
  func.func @transform_4(%arg0: i32) -> (i32, i32) {
    %c0_i32 = arith.constant 0 : i32
    %c0_i32_0 = arith.constant 0 : i32
    %c0_i32_1 = arith.constant 0 : i32
    return %c0_i32, %c0_i32_0 : i32, i32
  }
  func.func @transform_5(%arg0: i32) -> (i32, i32) {
    %c0_i32 = arith.constant 0 : i32
    %c0_i32_0 = arith.constant 0 : i32
    return %arg0, %c0_i32 : i32, i32
  }
}

module attributes {stable_mosaic.version = 14 : i64} {
  func.func @_node_body(%arg0: i32, %arg1: memref<5120x128xf32, #tpu.memory_space<vmem>>, %arg2: memref<5120x128xf32, #tpu.memory_space<vmem>>, %arg3: memref<128x128xf32, #tpu.memory_space<vmem>>, %arg4: memref<1x128xf32, #tpu.memory_space<vmem>>, %arg5: memref<128x128xf32, #tpu.memory_space<vmem>>, %arg6: memref<1x128xf32, #tpu.memory_space<vmem>>, %arg7: memref<5120x128xf32, #tpu.memory_space<vmem>>, %arg8: memref<5120x128xf32, #tpu.memory_space<vmem>>) attributes {dimension_semantics = [#tpu.dimension_semantics<arbitrary>], iteration_bounds = array<i64: 2>, scalar_prefetch = 0 : i64, scratch_operands = 0 : i64, tpu.core_type = #tpu.core_type<tc>, window_params = [{transform_indices = @transform_0, window_bounds = array<i64: 5120, 128>}, {transform_indices = @transform_1, window_bounds = array<i64: 5120, 128>}, {pipeline_mode = #tpu.pipeline_mode<synchronous>, transform_indices = @transform_2, window_bounds = array<i64: 128, 128>}, {pipeline_mode = #tpu.pipeline_mode<synchronous>, transform_indices = @transform_3, window_bounds = array<i64: 1, 128>}, {pipeline_mode = #tpu.pipeline_mode<synchronous>, transform_indices = @transform_4, window_bounds = array<i64: 128, 128>}, {pipeline_mode = #tpu.pipeline_mode<synchronous>, transform_indices = @transform_5, window_bounds = array<i64: 1, 128>}, {transform_indices = @transform_6, window_bounds = array<i64: 5120, 128>}, {transform_indices = @transform_7, window_bounds = array<i64: 5120, 128>}]} {
    %get3A = arith.constant 0 : index
    %get3A_0 = arith.constant 0 : index
    %get3A_1 = vector.load %arg1[%get3A, %get3A_0] : memref<5120x128xf32, #tpu.memory_space<vmem>>, vector<5120x128xf32>
    %get3A_2 = arith.constant 0 : index
    %get3A_3 = arith.constant 0 : index
    %get3A_4 = vector.load %arg3[%get3A_2, %get3A_3] : memref<128x128xf32, #tpu.memory_space<vmem>>, vector<128x128xf32>
    %dot_general3A = arith.constant dense<0.000000e+00> : vector<5120x128xf32>
    %dot_general3A_5 = tpu.matmul %get3A_1, %get3A_4, %dot_general3A {dimension_numbers = #tpu.dot_dimension_numbers<[1], [0], [0], [1], [0, 0, 1, 1], [], []>, transpose_lhs_hint = false} : vector<5120x128xf32>, vector<128x128xf32>, vector<5120x128xf32> -> vector<5120x128xf32>
    %get3A_6 = arith.constant 0 : index
    %get3A_7 = arith.constant 0 : index
    %get3A_8 = vector.load %arg4[%get3A_6, %get3A_7] : memref<1x128xf32, #tpu.memory_space<vmem>>, vector<1x128xf32>
    %add3A = vector.broadcast %get3A_8 : vector<1x128xf32> to vector<5120x128xf32>
    %add3A_9 = arith.addf %dot_general3A_5, %add3A : vector<5120x128xf32>
    %swap3A = arith.constant 0 : index
    %swap3A_10 = arith.constant 0 : index
    %swap3A_11 = vector.load %arg7[%swap3A, %swap3A_10] : memref<5120x128xf32, #tpu.memory_space<vmem>>, vector<5120x128xf32>
    tpu.vector_store %arg7[%swap3A, %swap3A_10], %add3A_9 {strides = array<i32>} : memref<5120x128xf32, #tpu.memory_space<vmem>>, vector<5120x128xf32>,
    %get3A_12 = arith.constant 0 : index
    %get3A_13 = arith.constant 0 : index
    %get3A_14 = vector.load %arg2[%get3A_12, %get3A_13] : memref<5120x128xf32, #tpu.memory_space<vmem>>, vector<5120x128xf32>
    %get3A_15 = arith.constant 0 : index
    %get3A_16 = arith.constant 0 : index
    %get3A_17 = vector.load %arg5[%get3A_15, %get3A_16] : memref<128x128xf32, #tpu.memory_space<vmem>>, vector<128x128xf32>
    %dot_general3A_18 = arith.constant dense<0.000000e+00> : vector<5120x128xf32>
    %dot_general3A_19 = tpu.matmul %get3A_14, %get3A_17, %dot_general3A_18 {dimension_numbers = #tpu.dot_dimension_numbers<[1], [0], [0], [1], [0, 0, 1, 1], [], []>, transpose_lhs_hint = false} : vector<5120x128xf32>, vector<128x128xf32>, vector<5120x128xf32> -> vector<5120x128xf32>
    %get3A_20 = arith.constant 0 : index
    %get3A_21 = arith.constant 0 : index
    %get3A_22 = vector.load %arg6[%get3A_20, %get3A_21] : memref<1x128xf32, #tpu.memory_space<vmem>>, vector<1x128xf32>
    %add3A_23 = vector.broadcast %get3A_22 : vector<1x128xf32> to vector<5120x128xf32>
    %add3A_24 = arith.addf %dot_general3A_19, %add3A_23 : vector<5120x128xf32>
    %swap3A_25 = arith.constant 0 : index
    %swap3A_26 = arith.constant 0 : index
    %swap3A_27 = vector.load %arg8[%swap3A_25, %swap3A_26] : memref<5120x128xf32, #tpu.memory_space<vmem>>, vector<5120x128xf32>
    tpu.vector_store %arg8[%swap3A_25, %swap3A_26], %add3A_24 {strides = array<i32>} : memref<5120x128xf32, #tpu.memory_space<vmem>>, vector<5120x128xf32>,
    return
  }
  func.func @transform_0(%arg0: i32) -> (i32, i32) {
    %c0_i32 = arith.constant 0 : i32
    %c0_i32_0 = arith.constant 0 : i32
    return %arg0, %c0_i32 : i32, i32
  }
  func.func @transform_1(%arg0: i32) -> (i32, i32) {
    %c0_i32 = arith.constant 0 : i32
    %c0_i32_0 = arith.constant 0 : i32
    return %arg0, %c0_i32 : i32, i32
  }
  func.func @transform_2(%arg0: i32) -> (i32, i32) {
    %c0_i32 = arith.constant 0 : i32
    %c0_i32_0 = arith.constant 0 : i32
    %c0_i32_1 = arith.constant 0 : i32
    return %c0_i32, %c0_i32_0 : i32, i32
  }
  func.func @transform_3(%arg0: i32) -> (i32, i32) {
    %c0_i32 = arith.constant 0 : i32
    %c0_i32_0 = arith.constant 0 : i32
    %c0_i32_1 = arith.constant 0 : i32
    return %c0_i32, %c0_i32_0 : i32, i32
  }
  func.func @transform_4(%arg0: i32) -> (i32, i32) {
    %c0_i32 = arith.constant 0 : i32
    %c0_i32_0 = arith.constant 0 : i32
    %c0_i32_1 = arith.constant 0 : i32
    return %c0_i32, %c0_i32_0 : i32, i32
  }
  func.func @transform_5(%arg0: i32) -> (i32, i32) {
    %c0_i32 = arith.constant 0 : i32
    %c0_i32_0 = arith.constant 0 : i32
    %c0_i32_1 = arith.constant 0 : i32
    return %c0_i32, %c0_i32_0 : i32, i32
  }
  func.func @transform_6(%arg0: i32) -> (i32, i32) {
    %c0_i32 = arith.constant 0 : i32
    %c0_i32_0 = arith.constant 0 : i32
    return %arg0, %c0_i32 : i32, i32
  }
  func.func @transform_7(%arg0: i32) -> (i32, i32) {
    %c0_i32 = arith.constant 0 : i32
    %c0_i32_0 = arith.constant 0 : i32
    return %arg0, %c0_i32 : i32, i32
  }
}

module attributes {stable_mosaic.version = 14 : i64} {
  func.func @_mlp_body(%arg0: i32, %arg1: memref<2x5120x128xf32, #tpu.memory_space<vmem>>, %arg2: memref<5120x128xf32, #tpu.memory_space<vmem>>, %arg3: memref<128x128xf32, #tpu.memory_space<vmem>>, %arg4: memref<1x128xf32, #tpu.memory_space<vmem>>, %arg5: memref<128x128xf32, #tpu.memory_space<vmem>>, %arg6: memref<1x128xf32, #tpu.memory_space<vmem>>, %arg7: memref<5120x128xf32, #tpu.memory_space<vmem>>) attributes {dimension_semantics = [#tpu.dimension_semantics<arbitrary>], iteration_bounds = array<i64: 2>, scalar_prefetch = 0 : i64, scratch_operands = 0 : i64, tpu.core_type = #tpu.core_type<tc>, window_params = [{transform_indices = @transform_0, window_bounds = array<i64: 2, 5120, 128>}, {transform_indices = @transform_1, window_bounds = array<i64: 5120, 128>}, {pipeline_mode = #tpu.pipeline_mode<synchronous>, transform_indices = @transform_2, window_bounds = array<i64: 128, 128>}, {pipeline_mode = #tpu.pipeline_mode<synchronous>, transform_indices = @transform_3, window_bounds = array<i64: 1, 128>}, {pipeline_mode = #tpu.pipeline_mode<synchronous>, transform_indices = @transform_4, window_bounds = array<i64: 128, 128>}, {pipeline_mode = #tpu.pipeline_mode<synchronous>, transform_indices = @transform_5, window_bounds = array<i64: 1, 128>}, {transform_indices = @transform_6, window_bounds = array<i64: 5120, 128>}]} {
    %get3A = arith.constant 0 : index
    %get3A_0 = arith.constant 0 : index
    %get3A_1 = arith.constant 0 : index
    %get3A_2 = vector.load %arg1[%get3A, %get3A_0, %get3A_1] : memref<2x5120x128xf32, #tpu.memory_space<vmem>>, vector<1x5120x128xf32>
    %get3A_3 = vector.shape_cast %get3A_2 : vector<1x5120x128xf32> to vector<5120x128xf32>
    %get3A_4 = arith.constant 1 : index
    %get3A_5 = arith.constant 0 : index
    %get3A_6 = arith.constant 0 : index
    %get3A_7 = vector.load %arg1[%get3A_4, %get3A_5, %get3A_6] : memref<2x5120x128xf32, #tpu.memory_space<vmem>>, vector<1x5120x128xf32>
    %get3A_8 = vector.shape_cast %get3A_7 : vector<1x5120x128xf32> to vector<5120x128xf32>
    %add3A = arith.addf %get3A_3, %get3A_8 : vector<5120x128xf32>
    %get3A_9 = arith.constant 0 : index
    %get3A_10 = arith.constant 0 : index
    %get3A_11 = vector.load %arg2[%get3A_9, %get3A_10] : memref<5120x128xf32, #tpu.memory_space<vmem>>, vector<5120x128xf32>
    %add3A_12 = arith.addf %add3A, %get3A_11 : vector<5120x128xf32>
    %get3A_13 = arith.constant 0 : index
    %get3A_14 = arith.constant 0 : index
    %get3A_15 = vector.load %arg3[%get3A_13, %get3A_14] : memref<128x128xf32, #tpu.memory_space<vmem>>, vector<128x128xf32>
    %dot_general3A = arith.constant dense<0.000000e+00> : vector<5120x128xf32>
    %dot_general3A_16 = tpu.matmul %add3A_12, %get3A_15, %dot_general3A {dimension_numbers = #tpu.dot_dimension_numbers<[1], [0], [0], [1], [0, 0, 1, 1], [], []>, transpose_lhs_hint = false} : vector<5120x128xf32>, vector<128x128xf32>, vector<5120x128xf32> -> vector<5120x128xf32>
    %get3A_17 = arith.constant 0 : index
    %get3A_18 = arith.constant 0 : index
    %get3A_19 = vector.load %arg4[%get3A_17, %get3A_18] : memref<1x128xf32, #tpu.memory_space<vmem>>, vector<1x128xf32>
    %add3A_20 = vector.broadcast %get3A_19 : vector<1x128xf32> to vector<5120x128xf32>
    %add3A_21 = arith.addf %dot_general3A_16, %add3A_20 : vector<5120x128xf32>
    %max3A = arith.constant 0.000000e+00 : f32
    %max3A_22 = vector.broadcast %max3A : f32 to vector<5120x128xf32>
    %max3A_23 = arith.maximumf %add3A_21, %max3A_22 : vector<5120x128xf32>
    %get3A_24 = arith.constant 0 : index
    %get3A_25 = arith.constant 0 : index
    %get3A_26 = vector.load %arg5[%get3A_24, %get3A_25] : memref<128x128xf32, #tpu.memory_space<vmem>>, vector<128x128xf32>
    %dot_general3A_27 = arith.constant dense<0.000000e+00> : vector<5120x128xf32>
    %dot_general3A_28 = tpu.matmul %max3A_23, %get3A_26, %dot_general3A_27 {dimension_numbers = #tpu.dot_dimension_numbers<[1], [0], [0], [1], [0, 0, 1, 1], [], []>, transpose_lhs_hint = false} : vector<5120x128xf32>, vector<128x128xf32>, vector<5120x128xf32> -> vector<5120x128xf32>
    %get3A_29 = arith.constant 0 : index
    %get3A_30 = arith.constant 0 : index
    %get3A_31 = vector.load %arg6[%get3A_29, %get3A_30] : memref<1x128xf32, #tpu.memory_space<vmem>>, vector<1x128xf32>
    %add3A_32 = vector.broadcast %get3A_31 : vector<1x128xf32> to vector<5120x128xf32>
    %add3A_33 = arith.addf %dot_general3A_28, %add3A_32 : vector<5120x128xf32>
    %swap3A = arith.constant 0 : index
    %swap3A_34 = arith.constant 0 : index
    %swap3A_35 = vector.load %arg7[%swap3A, %swap3A_34] : memref<5120x128xf32, #tpu.memory_space<vmem>>, vector<5120x128xf32>
    tpu.vector_store %arg7[%swap3A, %swap3A_34], %add3A_33 {strides = array<i32>} : memref<5120x128xf32, #tpu.memory_space<vmem>>, vector<5120x128xf32>,
    return
  }
  func.func @transform_0(%arg0: i32) -> (i32, i32, i32) {
    %c0_i32 = arith.constant 0 : i32
    %c0_i32_0 = arith.constant 0 : i32
    %c0_i32_1 = arith.constant 0 : i32
    return %c0_i32, %arg0, %c0_i32_0 : i32, i32, i32
  }
  func.func @transform_1(%arg0: i32) -> (i32, i32) {
    %c0_i32 = arith.constant 0 : i32
    %c0_i32_0 = arith.constant 0 : i32
    return %arg0, %c0_i32 : i32, i32
  }
  func.func @transform_2(%arg0: i32) -> (i32, i32) {
    %c0_i32 = arith.constant 0 : i32
    %c0_i32_0 = arith.constant 0 : i32
    %c0_i32_1 = arith.constant 0 : i32
    return %c0_i32, %c0_i32_0 : i32, i32
  }
  func.func @transform_3(%arg0: i32) -> (i32, i32) {
    %c0_i32 = arith.constant 0 : i32
    %c0_i32_0 = arith.constant 0 : i32
    %c0_i32_1 = arith.constant 0 : i32
    return %c0_i32, %c0_i32_0 : i32, i32
  }
  func.func @transform_4(%arg0: i32) -> (i32, i32) {
    %c0_i32 = arith.constant 0 : i32
    %c0_i32_0 = arith.constant 0 : i32
    %c0_i32_1 = arith.constant 0 : i32
    return %c0_i32, %c0_i32_0 : i32, i32
  }
  func.func @transform_5(%arg0: i32) -> (i32, i32) {
    %c0_i32 = arith.constant 0 : i32
    %c0_i32_0 = arith.constant 0 : i32
    %c0_i32_1 = arith.constant 0 : i32
    return %c0_i32, %c0_i32_0 : i32, i32
  }
  func.func @transform_6(%arg0: i32) -> (i32, i32) {
    %c0_i32 = arith.constant 0 : i32
    %c0_i32_0 = arith.constant 0 : i32
    return %arg0, %c0_i32 : i32, i32
  }
}

</mosaic_0001>

<sc_bundles>
// kernel: kernel.6.cloned.1.call-start
scs
__scs_entry_jumppad:
0x0: {  	(pc) =	sbr.rel $0x88, $3  }
0x1: {  	(tag) =	ssettag $0x0;
	lr =	simm.s32 $0x1  }
0x2: {  	[smem:$0x3F8F] =	sst lr;
	_ =	strace $0xD0000000  }
0x3: {  	_ = 	snop  }
0x4: {  	_ = 	snop  }
0x5: {  	_ = 	snop  }
0x6: {  	_ = 	snop  }
0x7: {  	_ = 	snop  }
__scs_overlays_trampoline_lowered:
0x8: {  	[smem:$0x3F9E] =	sst s0  }
0x9: {  	[smem:$0x3F9F] =	sst s1  }
0xa: {  	[smem:$0x3FA0] =	sst s2  }
0xb: {  	[smem:$0x3FA1] =	sst s3  }
0xc: {  	[smem:$0x3FA2] =	sst s4  }
0xd: {  	[smem:$0x3FA3] =	sst s5  }
0xe: {  	[smem:$0x3FA4] =	sst s6  }
0xf: {  	[smem:$0x3FA5] =	sst s7  }
0x10: {  	[smem:$0x3FA6] =	sst s8  }
0x11: {  	[smem:$0x3FA7] =	sst s9;
	s0 =	simm.s32 @!p0 $0x0  }
0x12: {  	s1 =	sld [smem:$0x3F8D];
	s0 =	simm.s32 @p0 $0x1  }
0x13: {  	[smem:$0x3FA8] =	sst s0;
	s0 =	simm.s32 @!p1 $0x0  }
0x14: {  	s2 =	sld [smem:$0x3F8C];
	s0 =	simm.s32 @p1 $0x1  }
0x15: {  	[smem:$0x3FA9] =	sst s0;
	s0 =	simm.s32 @!p2 $0x0  }
0x16: {  	s3 =	sld [smem:$0x3FDB];
	s0 =	simm.s32 @p2 $0x1  }
0x17: {  	s4 =	simm.s32 $0x1BF5;
	[smem:$0x3FAB] =	sst s0  }
0x18: {  	s0 =	sld [smem:$0x3F8E];
	_ =	swait.ge [sflag:s4], $0x0  }
0x19: {  	s7 =	sld [smem:$0x3F8F]  }
0x1a: {  	s8 =	sadd.s32 $0xFFFFE003, lr  }
0x1b: {  	s9 =	sadd.s32 $0xFFFFFEF7, lr;
	s5 =	simm.s32 $0xFFFFFFFF;
	p2 =	slt.u32 s8, $0xFFFFF086  }
0x1c: {  	p1 =	slt.u32 s9, $0xF7A;
	s5 =	simm.s32 @!p2 $0x0  }
0x1d: {  	s5 =	simm.s32 @p1 $0x1;
	p0 =	seq.s32 s7, s2  }
0x1e: {  	s7 =	smul.u32 @!p0 $0xF7A, s2;
	p2 =	seq.s32 @!p0 s5, $0x0  }
0x1f: {  	s9 =	smul.u32 $0xF7A, s1;
	s8 =	simm.s32 @!p0 $0x1BF5;
	p2 =	por !p2, p0  }
0x20: {  	[sflag:s8] =	ssyncset.s32 @!p0 $0xFFFFF086;
	s6 =	sadd.s32 @!p0 s3, s7;
	s7 =	simm.s32 @!p0 $0x108  }
0x21: {  	s3 =	sadd.s32 s3, s9;
	s6 =	sadd.s32 @!p0 $0x88, s6;
	s7 =	simm.s32 @p2 $0x1082  }
0x22: {  	[simem:s7], [sflag:s8] =	dma.local @!p0 [hbm:s6], $0xF7A  }
0x23: {  	s9 =	sor.u32 $0xD0000000, s2;
	s6 =	simm.s32 $0x108;
	_ =	swait.ge @!p0 [sflag:s8], $0x0  }
0x24: {  	s3 =	sadd.s32 $0x88, s3;
	s6 =	simm.s32 @!p1 $0x1082;
	[sflag:s4] =	ssyncset.s32 $0xFFFFF086  }
0x25: {  	[simem:s6], [sflag:s4] =	dma.local [hbm:s3], $0xF7A  }
0x26: {  	[smem:$0x3F8F] =	sst s1;
	(tag) =	ssettag s2;
	_ =	strace s9  }
0x27: {  	s1 =	sld [smem:$0x3F9F]  }
0x28: {  	s2 =	sld [smem:$0x3FA0]  }
0x29: {  	s4 =	sld [smem:$0x3FA2]  }
0x2a: {  	p0 =	seq.s32 s5, $0x0;
	s5 =	sld [smem:$0x3FA3]  }
0x2b: {  	s6 =	sld [smem:$0x3FA4]  }
0x2c: {  	s7 =	sld [smem:$0x3FA5]  }
0x2d: {  	s3 =	simm.s32 $0x108;
	s8 =	sld [smem:$0x3FA6]  }
0x2e: {  	s3 =	simm.s32 @!p0 $0x1082;
	s9 =	sld [smem:$0x3FA7]  }
0x2f: {  	lr =	sadd.s32 s0, s3;
	s0 =	sld [smem:$0x3F9E]  }
0x30: {  	s3 =	sld [smem:$0x3FA1]  }
0x31: {  	[smem:$0x3FAA] =	sst s10  }
0x32: {  	s10 =	sld [smem:$0x3FA8];
	_ =	sdelay $0x3  }
0x33: {  	p0 =	seq.s32 s10, $0x1;
	s10 =	sld [smem:$0x3FAA];
	_ =	sdelay $0x3  }
0x34: {  	[smem:$0x3FAA] =	sst s10  }
0x35: {  	s10 =	sld [smem:$0x3FA9];
	_ =	sdelay $0x3  }
0x36: {  	p1 =	seq.s32 s10, $0x1;
	s10 =	sld [smem:$0x3FAA];
	_ =	sdelay $0x3  }
0x37: {  	[smem:$0x3FAA] =	sst s10  }
0x38: {  	s10 =	sld [smem:$0x3FAB]  }
0x39: {  	_ = 	snop;
	(pc) =	sbr.ind lr, $3  }
0x3a: {  	_ = 	snop  }
0x3b: {  	_ = 	snop  }
0x3c: {  	p2 =	seq.s32 s10, $0x1;
	s10 =	sld [smem:$0x3FAA]  }
0x3d: {  	_ =	shalt  }
0x3e: {  	_ =	shalt  }
0x3f: {  	_ =	shalt  }
0x40: {  	_ =	shalt  }
0x41: {  	_ =	shalt  }
0x42: {  	_ =	shalt  }
0x43: {  	_ =	shalt  }
0x44: {  	_ =	shalt  }
0x45: {  	_ =	shalt  }
0x46: {  	_ =	shalt  }
0x47: {  	_ =	shalt  }
0x48: {  	_ =	shalt  }
0x49: {  	_ =	shalt  }
0x4a: {  	_ =	shalt  }
0x4b: {  	_ =	shalt  }
0x4c: {  	_ =	shalt  }
0x4d: {  	_ =	shalt  }
0x4e: {  	_ =	shalt  }
0x4f: {  	_ =	shalt  }
0x50: {  	_ =	shalt  }
0x51: {  	_ =	shalt  }
0x52: {  	_ =	shalt  }
0x53: {  	_ =	shalt  }
0x54: {  	_ =	shalt  }
0x55: {  	_ =	shalt  }
0x56: {  	_ =	shalt  }
0x57: {  	_ =	shalt  }
0x58: {  	_ =	shalt  }
0x59: {  	_ =	shalt  }
0x5a: {  	_ =	shalt  }
0x5b: {  	_ =	shalt  }
0x5c: {  	_ =	shalt  }
0x5d: {  	_ =	shalt  }
0x5e: {  	_ =	shalt  }
0x5f: {  	_ =	shalt  }
0x60: {  	_ =	shalt  }
0x61: {  	_ =	shalt  }
0x62: {  	_ =	shalt  }
0x63: {  	_ =	shalt  }
0x64: {  	_ =	shalt  }
0x65: {  	_ =	shalt  }
0x66: {  	_ =	shalt  }
0x67: {  	_ =	shalt  }
0x68: {  	_ =	shalt  }
0x69: {  	_ =	shalt  }
0x6a: {  	_ =	shalt  }
0x6b: {  	_ =	shalt  }
0x6c: {  	_ =	shalt  }
0x6d: {  	_ =	shalt  }
0x6e: {  	_ =	shalt  }
0x6f: {  	_ =	shalt  }
0x70: {  	_ =	shalt  }
0x71: {  	_ =	shalt  }
0x72: {  	_ =	shalt  }
0x73: {  	_ =	shalt  }
0x74: {  	_ =	shalt  }
0x75: {  	_ =	shalt  }
0x76: {  	_ =	shalt  }
0x77: {  	_ =	shalt  }
0x78: {  	_ =	shalt  }
0x79: {  	_ =	shalt  }
0x7a: {  	_ =	shalt  }
0x7b: {  	_ =	shalt  }
0x7c: {  	_ =	shalt  }
0x7d: {  	_ =	shalt  }
0x7e: {  	_ =	shalt  }
0x7f: {  	_ =	shalt  }
0x80: {  	_ =	shalt  }
0x81: {  	_ =	shalt  }
0x82: {  	_ =	shalt  }
0x83: {  	_ =	shalt  }
0x84: {  	_ =	shalt  }
0x85: {  	_ =	shalt  }
0x86: {  	_ =	shalt  }
0x87: {  	_ =	shalt  }
.Lfunc_end0:
.L_simem_size_0:
called_computation_lowered:
.L_overlay_start_0:
0x88: {  	s2 =	sld [smem:$0x3FD9]  }
0x89: {  	s3 =	sld [smem:$0x3FFE];
	_ =	sdelay $0x1  }
0x8a: {  	s1 =	srdreg.scid  }
0x8b: {  	s0 =	sand.u32 $0x1, s1  }
0x8c: {  	s17 =	sshll.u32 s0, $0xA;
	s2 =	sadd.s32 s3, s2  }
0x8d: {  	s2 =	sadd.s32 s2, s17  }
0x8e: {  	[smem:$0x3FB6] =	sst s2  }
0x8f: {  	_ = 	snop  }
0x90: {  	s2 =	sld [smem:$0x3FD0];
	(tm) =	ssettm $0x1  }
0x91: {  	s18 =	sld [smem:$0x3FFB];
	_ =	sdelay $0x3  }
0x92: {  	_ =	strace s18  }
0x93: {  	s3 =	sld [smem:$0x3FFC];
	_ =	sdelay $0x3  }
0x94: {  	_ =	strace s3  }
0x95: {  	s3 =	sld [smem:$0x3FFD];
	_ =	sdelay $0x3  }
0x96: {  	_ =	strace s3  }
0x97: {  	_ =	strace $0x8FFFFFFF  }
0x98: {  	s19 =	sld [smem:$0x3FDB];
	_ =	sdelay $0x1  }
0x99: {  	s4 =	simm.s32 $_scs_section_size  }
0x9a: {  	s5 =	simm.s32 $_size__tile_overlayer_lowered;
	s6 =	simm.s32 $_tile_overlayer_lowered  }
0x9b: {  	s22 =	simm.s32 $0x1BFF;
	s21 =	sshll.u32 s6, $0x1;
	s3 =	sadd.s32 s4, s19  }
0x9c: {  	s7 =	simm.s32 $0x0;
	s20 =	sshll.u32 s5, $0x1;
	s5 =	sadd.s32 s21, s3  }
0x9d: {  	[timem:s7], [sflag:s22] =	dma.local [hbm:s5], s20  }
0x9e: {  	_ =	swait.ge [sflag:s22], s20  }
0x9f: {  	s4 =	ssub.s32 $0x0, s20;
	[sflag:s22] =	ssyncset.done $0x0  }
0xa0: {  	[sflag:s22] =	ssyncadd.s32 s4;
	_ =	sdelay $0x1  }
0xa1: {  	s23 =	simm.s32 $0x1B8B  }
0xa2: {  	_ =	swait.ge [sflag:s23], $0x1  }
0xa3: {  	[sflag:s23] =	ssyncset.done $0x0  }
0xa4: {  	s25 =	simm.s32 $0x1B8E;
	s24 =	sld [smem:$0x3FFE];
	[sflag:s23] =	ssyncadd.s32 $0xFFFFFFFF  }
0xa5: {  	s26 =	simm.s32 $execute0_lowered;
	[smem:$0x3FD2] =	sst s25  }
0xa6: {  	s5 =	sshll.u32 s26, $0x1;
	_ =	strace $0x80000046;
	[dreg:$0x1] =	wrdreg $0xFFFFFFFF  }
0xa7: {  	s28 =	simm.s32 $_size_execute0_lowered;
	s3 =	sadd.s32 s3, s5;
	[dreg:$0x0] =	wrdreg $0x0  }
0xa8: {  	s5 =	sshll.u32 s28, $0x1;
	[dreg:$0x2] =	wrdreg s3  }
0xa9: {  	[dreg:$0x3] =	wrdreg s5  }
0xaa: {  	[dreg:$0x4] =	wrdreg $0xC0  }
0xab: {  	_ =	task [dreg:s7], $0x5FFFF  }
0xac: {  	[dreg:$0x1] =	wrdreg $0xFFFFFFFF  }
0xad: {  	[dreg:$0x0] =	wrdreg $0x60  }
0xae: {  	[dreg:$0x2] =	wrdreg s24  }
0xaf: {  	[dreg:$0x3] =	wrdreg s2  }
0xb0: {  	[dreg:$0x4] =	wrdreg $0x0  }
0xb1: {  	[dreg:$0x5] =	wrdreg $0x9  }
0xb2: {  	_ =	task.clear_ibuf [dreg:s7], $0x6FFFF;
	_ =	strace $0x90000046  }
0xb3: {  	s29 =	simm.s32 $0x9;
	_ =	strace $0x80000048  }
0xb4: {  	_ =	swait.ge [sflag:s29], $0x1  }
0xb5: {  	[sflag:s29] =	ssyncadd.s32 $0xFFFFFFFF  }
0xb6: {  	_ =	strace $0x90000048  }
0xb7: {  	_ =	sfence  }
0xb8: {  	s30 =	sld [smem:$0x0];
	_ =	sdelay $0x2  }
0xb9: {  	s31 =	sshll.u32 s1, $0xD;
	s1 =	sshrl.u32 s1, $0x2  }
0xba: {  	s3 =	sand.u32 $0x4000, s31;
	s1 =	sadd.s32 s1, s30  }
0xbb: {  	s0 =	sor.u32 s3, s0;
	s1 =	sshll.u32 s1, $0x11  }
0xbc: {  	s0 =	sor.u32 s1, s0  }
0xbd: {  	s0 =	sadd.s32 $0x8F2B, s0  }
0xbe: {  	[sflag:s0] =	ssyncadd.remote.s32 $0x1  }
0xbf: {  	_ =	sfence.sel $0xFFFF  }
0xc0: {  	[dreg:$0x0] =	wrdreg $0xFFFFFFFF;
	(pc) =	sbr.abs _section_cstart, $3  }
0xc1: {  	[dreg:$0x1] =	wrdreg $0xFFFFFFFF  }
0xc2: {  	_ =	task.clear_ibuf [dreg:s7], $0x2FFFF;
	_ =	strace $0x9FFFFFFF  }
0xc3: {  	(tm) =	ssettm $0x7FFFFFFF  }
tec
execute0_lowered:
.L_overlay_start_1:
0x0: {  	(tag) =	ssettag $0x1  }
0x1: {  	s0 =	rddreg [dreg:$0x0];
	s9 =	stileid.u32  }
0x2: {  	s10 =	rddreg [dreg:$0x1];
	s3 =	smul.u32 $0x2800, s9  }
0x3: {  	s1 =	srdreg.scid;
	s6 =	smul.u32 $0x500, s9  }
0x4: {  	s11 =	rddreg [dreg:$0x2];
	s4 =	simm.s32 $0x0;
	s16 =	smul.u32 $0x14000, s9  }
0x5: {  	s28 =	simm.s32 $0x4;
	s29 =	simm.s32 $0x3;
	s17 =	smul.u32 $0x50000, s9  }
0x6: {  	s30 =	simm.s32 $0x2;
	s1 =	sand.u32 $0x1, s1;
	s9 =	smul.u32 $0x50, s9  }
0x7: {  	[smem:$0x7FF] =	sst s4;
	s7 =	sadd.s32 $0x3400, s0;
	s2 =	smul.u32 $0x28000, s1  }
0x8: {  	s12 =	sadd.s32 $0x53400, s0;
	s5 =	smul.u32 $0x5000, s1;
	_ =	strace $0x80000047  }
0x9: {  	[dreg:$0x4] =	wrdreg s7;
	s15 =	smul.u32 $0x140000, s1;
	s18 =	ssub.s32 $0x2, s1  }
0xa: {  	s1 =	smul.u32 $0x500, s1;
	[dreg:$0x5] =	wrdreg s12;
	s7 =	simm.s32 $0x80  }
0xb: {  	s8 =	sshrl.u32 s18, $0x1;
	s2 =	sadd.s32 s3, s2;
	s5 =	sadd.s32 s6, s5  }
0xc: {  	s3 =	sadd.s32 s16, s15;
	s19 =	ssub.s32 s18, s8;
	s1 =	sadd.s32 s9, s1  }
0xd: {  	s6 =	sshrl.u32 s17, $0x2;
	[dreg:$0x7] =	wrdreg s1;
	s31 =	smax.u32 s19, $0x1  }
0xe: {  	s2 =	sshll.u32 s2, $0x4;
	s6 =	sadd.s32 s6, s11;
	[dreg:$0x11] =	wrdreg s31  }
0xf: {  	s5 =	sshll.u32 s5, $0x4;
	s20 =	sadd.s32 $0x4000, s6;
	[dreg:$0x6] =	wrdreg s6  }
0x10: {  	s3 =	sshrl.u32 s3, $0x3;
	s21 =	sadd.s32 $0x8000, s6;
	[dreg:$0x8] =	wrdreg s20  }
0x11: {  	s1 =	sshll.u32 s1, $0x4;
	s22 =	sadd.s32 $0xC000, s6;
	[dreg:$0x9] =	wrdreg s21  }
0x12: {  	s19 =	simm.s32 $0x18900;
	s23 =	sadd.s32 $0x10000, s6;
	[dreg:$0xa] =	wrdreg s22  }
0x13: {  	s2 =	sadd.s32 s2, s0;
	s24 =	sadd.s32 s10, s1;
	[dreg:$0xb] =	wrdreg s23  }
0x14: {  	s5 =	sadd.s32 s5, s0;
	s1 =	sadd.s32 s12, s1;
	[dreg:$0xc] =	wrdreg s24  }
0x15: {  	s0 =	sadd.s32 s3, s0;
	[dreg:$0xd] =	wrdreg s1;
	s25 =	sadd.s32 $0x101600, s5  }
0x16: {  	s3 =	simm.s32 $0x14080;
	s26 =	sadd.s32 $0xA55400, s2;
	[dreg:$0xe] =	wrdreg s25  }
0x17: {  	s0 =	sadd.s32 $0x5D600, s0;
	s20 =	simm.s32 $0x5;
	[dreg:$0xf] =	wrdreg s26  }
0x18: {  	v0 =	vimm.f32 $0.0e+00;
	s1 =	simm.s32 $0x0;
	[dreg:$0x10] =	wrdreg s0;
	s25 =	simm.s32 $0x1  }
.LBB2_1:
0x19: {  	[dreg:$0x12] =	wrdreg s1;
	s0 =	simm.s32 $0x0;
	s1 =	simm.s32 $0x200  }
.LBB2_2:
0x1a: {  	p0 =	sne.s32 s1, $0xFE00;
	[tilespmem:s0+$0x18970] =	vst v0  }
0x1b: {  	[tilespmem:s0+$0x18900] =	vst v0  }
0x1c: {  	[tilespmem:s0+$0x18910] =	vst v0  }
.Ltmp0:
0x1d: {  	[tilespmem:s0+$0x18920] =	vst v0;
	(pc) =	sbr.rel @p0 .LBB2_2-.Ltmp0, $4  }
0x1e: {  	[tilespmem:s0+$0x18930] =	vst v0  }
0x1f: {  	[tilespmem:s0+$0x18940] =	vst v0  }
0x20: {  	[tilespmem:s0+$0x18950] =	vst v0  }
0x21: {  	[tilespmem:s0+$0x18960] =	vst v0;
	s0 =	sshra.s32 s1, $0x2;
	s1 =	sadd.s32 $0x200, s1  }
0x22: {  	[tilespmem:s0+$0x18970] =	vst v0  }
0x23: {  	[tilespmem:s0+$0x18900] =	vst v0  }
0x24: {  	[tilespmem:s0+$0x18910] =	vst v0  }
0x25: {  	[tilespmem:s0+$0x18920] =	vst v0  }
0x26: {  	[tilespmem:s0+$0x18930] =	vst v0  }
0x27: {  	[tilespmem:s0+$0x18940] =	vst v0  }
0x28: {  	[tilespmem:s0+$0x18950] =	vst v0  }
0x29: {  	[tilespmem:s0+$0x18960] =	vst v0  }
0x2a: {  	[spmem:s6] =	stream.linear.scatter [tilespmem:s19], [sflag:$0x5], $0x4000, $0x38;
	[tilespmem:$0x1C900] =	vst v63  }
0x2b: {  	_ =	swait.ge [sflag:s20], $0x4000  }
0x2c: {  	[sflag:s20] =	ssyncset.done $0x0  }
0x2d: {  	s16 =	rddreg [dreg:$0x8];
	[sflag:s20] =	ssyncadd.s32 $0xFFFFC000  }
0x2e: {  	[spmem:s16] =	stream.linear.scatter [tilespmem:s19], [sflag:$0x5], $0x4000, $0x38;
	[tilespmem:$0x1C900] =	vst v63  }
0x2f: {  	_ =	swait.ge [sflag:s20], $0x4000  }
0x30: {  	[sflag:s20] =	ssyncset.done $0x0  }
0x31: {  	s17 =	rddreg [dreg:$0x9];
	[sflag:s20] =	ssyncadd.s32 $0xFFFFC000  }
0x32: {  	[spmem:s17] =	stream.linear.scatter [tilespmem:s19], [sflag:$0x5], $0x4000, $0x38;
	[tilespmem:$0x1C900] =	vst v63  }
0x33: {  	_ =	swait.ge [sflag:s20], $0x4000  }
0x34: {  	[sflag:s20] =	ssyncset.done $0x0  }
0x35: {  	s18 =	rddreg [dreg:$0xa];
	[sflag:s20] =	ssyncadd.s32 $0xFFFFC000  }
0x36: {  	[spmem:s18] =	stream.linear.scatter [tilespmem:s19], [sflag:$0x5], $0x4000, $0x38;
	[tilespmem:$0x1C900] =	vst v63  }
0x37: {  	_ =	swait.ge [sflag:s20], $0x4000  }
0x38: {  	[sflag:s20] =	ssyncset.done $0x0  }
0x39: {  	s21 =	rddreg [dreg:$0xb];
	[sflag:s20] =	ssyncadd.s32 $0xFFFFC000  }
0x3a: {  	[spmem:s21] =	stream.linear.scatter [tilespmem:s19], [sflag:$0x5], $0x4000, $0x38;
	[tilespmem:$0x1C900] =	vst v63  }
0x3b: {  	_ =	swait.ge [sflag:s20], $0x4000  }
0x3c: {  	[sflag:s20] =	ssyncset.done $0x0  }
0x3d: {  	[sflag:s20] =	ssyncadd.s32 $0xFFFFC000  }
0x3e: {  	[bflag:$0x0] =	sbarrier.arrive $0xFFFF  }
0x3f: {  	s0 =	simm.s32 $0x0;
	s2 =	simm.s32 $0x14000;
	s1 =	rddreg [dreg:$0xc]  }
0x40: {  	[tilespmem:s2], [sflag:$0x1] =	stream.linear.gather [hbm4b:s1+s0], $0x80, $0x38;
	[tilespmem:$0x1C900] =	vst v63  }
0x41: {  	s22 =	rddreg [dreg:$0xd]  }
0x42: {  	[tilespmem:s3], [sflag:$0x2] =	stream.linear.gather [hbm4b:s22+s0], $0x80, $0x38;
	[tilespmem:$0x1C900] =	vst v63  }
0x43: {  	s24 =	simm.s32 $0x14100;
	s23 =	rddreg [dreg:$0xe]  }
0x44: {  	[tilespmem:s24], [sflag:$0x3] =	stream.linear.gather [hbm4b:s23+s0], $0x800, $0x38;
	[tilespmem:$0x1C900] =	vst v63  }
0x45: {  	s31 =	simm.s32 $0x14900;
	s26 =	rddreg [dreg:$0xf];
	s1 =	simm.s32 $0x0  }
0x46: {  	[tilespmem:s31], [sflag:$0x3] =	stream.linear.gather [hbm4b:s26+s0], $0x4000, $0x38;
	[tilespmem:$0x1C900] =	vst v63  }
.LBB2_4:
0x47: {  	_ =	swait.ge [sflag:s25], $0x80  }
0x48: {  	[sflag:s25] =	ssyncset.done $0x0  }
0x49: {  	s3 =	simm.s32 $0x14000;
	s2 =	rddreg [dreg:$0x4];
	[sflag:s25] =	ssyncadd.s32 $0xFFFFFF80  }
0x4a: {  	[tilespmem:s19], [sflag:$0x4] =	stream.indirect.gather [hbm4b:s2+s7], $0x80, s3, s7, $0xb8;
	[tilespmem:$0x1C900] =	vst v63  }
0x4b: {  	s17 =	rddreg [dreg:$0x7];
	_ =	swait.ge [sflag:s28], $0x4000  }
0x4c: {  	s2 =	sadd.s32 s17, s1;
	[sflag:s28] =	ssyncset.done $0x0  }
0x4d: {  	s2 =	sshll.u32 s2, $0x4;
	[sflag:s28] =	ssyncadd.s32 $0xFFFFC000  }
0x4e: {  	s9 =	sadd.s32 $0x10, s2;
	s18 =	rddreg [dreg:$0x1]  }
0x4f: {  	s2 =	sadd.s32 s18, s9  }
0x50: {  	[tilespmem:s3], [sflag:$0x1] =	stream.linear.gather [hbm4b:s2+s0], $0x80, $0x38;
	[tilespmem:$0x1C900] =	vst v63  }
0x51: {  	_ =	swait.ge [sflag:s29], $0x4000  }
0x52: {  	[sflag:s29] =	ssyncset.done $0x0  }
0x53: {  	[sflag:s29] =	ssyncadd.s32 $0xFFFFC000  }
0x54: {  	_ =	swait.ge [sflag:s29], $0x800  }
0x55: {  	[sflag:s29] =	ssyncset.done $0x0  }
0x56: {  	s10 =	simm.s32 $0x18980;
	[sflag:s29] =	ssyncadd.s32 $0xFFFFF800  }
0x57: {  	s5 =	simm.s32 $0x14980;
	v1 =	vld [tilespmem:s10+$0x0]  }
0x58: {  	v2 =	vld [tilespmem:s5+$0x0];
	_ =	sdelay $0x4  }
0x59: {  	v1 =	vadd.f32 v2, v1;
	_ =	sdelay $0x1  }
0x5a: {  	v2 =	vmul.f32 v1, v1;
	_ =	sdelay $0x1  }
0x5b: {  	v2 =	vmul.f32 $7.135481390e-02, v2  }
0x5c: {  	v3 =	vld [tilespmem:s5+$0xFFFFFF80]  }
0x5d: {  	v4 =	vld [tilespmem:s10+$0xFFFFFF80];
	v2 =	vsub.f32 $-1.595769170e+00, v2;
	_ =	sdelay $0x1  }
0x5e: {  	v2 =	vmul.f32 v2, v1;
	_ =	sdelay $0x1  }
0x5f: {  	v5 =	vmul.f32 $1.442695020e+00, v2  }
0x60: {  	v2 =	vadd.f32 v3, v4  }
0x61: {  	(erf) = vpow2.f32 v5  }
0x62: {  	v3 =	vmul.f32 v2, v2;
	_ =	sdelay $0x1  }
0x63: {  	v3 =	vmul.f32 $7.135481390e-02, v3;
	_ =	sdelay $0x1  }
0x64: {  	v3 =	vsub.f32 $-1.595769170e+00, v3;
	_ =	sdelay $0x1  }
0x65: {  	v3 =	vmul.f32 v3, v2;
	_ =	sdelay $0x1  }
0x66: {  	v3 =	vmul.f32 $1.442695020e+00, v3;
	v4 =	vpop (erf)  }
0x67: {  	v4 =	vadd.f32 $1.000000000e+00, v4  }
0x68: {  	s21 =	sand.u32 $0x1E00, s0;
	(erf) = vpow2.f32 v3  }
0x69: {  	s22 =	simm.s32 $0x10;
	s2 =	sshrl.u32 s21, $0x2;
	(erf) = vrcp.f32 v4  }
0x6a: {  	s23 =	sand.u32 $0x70, s22;
	s6 =	sadd.s32 $0x14100, s2  }
0x6b: {  	s2 =	sor.u32 s23, s6  }
0x6c: {  	v10 =	vld [tilespmem:s2+$0x0];
	_ =	sdelay $0x4  }
0x6d: {  	v1 =	vmul.f32 v1, v10;
	v3 =	vpop (erf)  }
0x6e: {  	v4 =	vpop (erf)  }
0x6f: {  	v1 =	vmul.f32 v4, v1;
	_ =	sdelay $0x1  }
0x70: {  	v4 =	vld [tilespmem:s10+$0x10];
	[tilespmem:s10+$0x0] =	vst v1  }
0x71: {  	v1 =	vld [tilespmem:s5+$0x10];
	_ =	sdelay $0x4  }
0x72: {  	v1 =	vadd.f32 v1, v4;
	_ =	sdelay $0x1  }
0x73: {  	v4 =	vmul.f32 v1, v1;
	_ =	sdelay $0x1  }
0x74: {  	v4 =	vmul.f32 $7.135481390e-02, v4;
	_ =	sdelay $0x1  }
0x75: {  	v4 =	vsub.f32 $-1.595769170e+00, v4;
	_ =	sdelay $0x1  }
0x76: {  	v4 =	vmul.f32 v4, v1  }
0x77: {  	v3 =	vadd.f32 $1.000000000e+00, v3  }
0x78: {  	v4 =	vmul.f32 $1.442695020e+00, v4  }
0x79: {  	(erf) = vrcp.f32 v3  }
0x7a: {  	(erf) = vpow2.f32 v4;
	_ =	sdelay $0x3  }
0x7b: {  	s3 =	simm.s32 $0x14A80  }
0x7c: {  	s11 =	simm.s32 $0x18A80;
	v5 =	vld [tilespmem:s3+$0x0]  }
0x7d: {  	v4 =	vld [tilespmem:s11+$0x0];
	_ =	sdelay $0x1  }
0x7e: {  	v3 =	vpop (erf)  }
0x7f: {  	v6 =	vpop (erf)  }
0x80: {  	v6 =	vadd.f32 $1.000000000e+00, v6  }
0x81: {  	v7 =	vld [tilespmem:s3+$0xFFFFFF80];
	v5 =	vadd.f32 v5, v4  }
0x82: {  	v4 =	vld [tilespmem:s11+$0xFFFFFF80];
	(erf) = vrcp.f32 v6  }
0x83: {  	v6 =	vmul.f32 v5, v5;
	_ =	sdelay $0x1  }
0x84: {  	v6 =	vmul.f32 $7.135481390e-02, v6;
	_ =	sdelay $0x1  }
0x85: {  	v4 =	vadd.f32 v7, v4;
	v6 =	vsub.f32 $-1.595769170e+00, v6;
	_ =	sdelay $0x1  }
0x86: {  	v7 =	vmul.f32 v4, v4;
	v6 =	vmul.f32 v6, v5  }
0x87: {  	v1 =	vmul.f32 v1, v10  }
0x88: {  	v7 =	vmul.f32 $7.135481390e-02, v7;
	v6 =	vmul.f32 $1.442695020e+00, v6;
	v8 =	vpop (erf)  }
0x89: {  	v1 =	vmul.f32 v8, v1  }
0x8a: {  	v7 =	vsub.f32 $-1.595769170e+00, v7;
	(erf) = vpow2.f32 v6  }
0x8b: {  	v6 =	vld [tilespmem:s10+$0x20];
	[tilespmem:s10+$0x10] =	vst v1  }
0x8c: {  	v1 =	vmul.f32 v7, v4;
	v7 =	vld [tilespmem:s5+$0x20];
	_ =	sdelay $0x2  }
0x8d: {  	v1 =	vmul.f32 $1.442695020e+00, v1;
	_ =	sdelay $0x1  }
0x8e: {  	(erf) = vpow2.f32 v1;
	v1 =	vadd.f32 v7, v6;
	_ =	sdelay $0x1  }
0x8f: {  	v6 =	vpop (erf);
	v7 =	vmul.f32 v1, v1  }
0x90: {  	s24 =	simm.s32 $0x80;
	v6 =	vadd.f32 $1.000000000e+00, v6  }
0x91: {  	s2 =	sand.u32 $0x1E00, s24;
	v7 =	vmul.f32 $7.135481390e-02, v7  }
0x92: {  	s8 =	simm.s32 $0x30;
	s2 =	sshrl.u32 s2, $0x2;
	(erf) = vrcp.f32 v6  }
0x93: {  	s12 =	sand.u32 $0x70, s8;
	s26 =	sadd.s32 $0x14100, s2;
	v6 =	vsub.f32 $-1.595769170e+00, v7  }
0x94: {  	s2 =	sor.u32 s12, s26  }
0x95: {  	v12 =	vld [tilespmem:s2+$0x0];
	v6 =	vmul.f32 v6, v1;
	_ =	sdelay $0x1  }
0x96: {  	v7 =	vpop (erf);
	v6 =	vmul.f32 $1.442695020e+00, v6  }
0x97: {  	v7 =	vadd.f32 $1.000000000e+00, v7;
	_ =	sdelay $0x1  }
0x98: {  	v5 =	vmul.f32 v5, v12;
	(erf) = vrcp.f32 v7  }
0x99: {  	(erf) = vpow2.f32 v6;
	v6 =	vpop (erf)  }
0x9a: {  	v5 =	vmul.f32 v6, v5;
	_ =	sdelay $0x1  }
0x9b: {  	v6 =	vld [tilespmem:s11+$0x10];
	[tilespmem:s11+$0x0] =	vst v5  }
0x9c: {  	v7 =	vld [tilespmem:s3+$0x10];
	_ =	sdelay $0x3  }
0x9d: {  	v5 =	vpop (erf)  }
0x9e: {  	v8 =	vpop (erf);
	v7 =	vadd.f32 v7, v6  }
0x9f: {  	v8 =	vadd.f32 $1.000000000e+00, v8  }
0xa0: {  	v6 =	vmul.f32 v7, v7  }
0xa1: {  	(erf) = vrcp.f32 v8  }
0xa2: {  	v6 =	vmul.f32 $7.135481390e-02, v6;
	_ =	sdelay $0x1  }
0xa3: {  	v6 =	vsub.f32 $-1.595769170e+00, v6;
	_ =	sdelay $0x1  }
0xa4: {  	v6 =	vmul.f32 v6, v7;
	_ =	sdelay $0x1  }
0xa5: {  	s31 =	simm.s32 $0x14B80;
	v6 =	vmul.f32 $1.442695020e+00, v6  }
0xa6: {  	v11 =	vld [tilespmem:s31+$0x0];
	s12 =	simm.s32 $0x18B80;
	v1 =	vmul.f32 v1, v10  }
0xa7: {  	v8 =	vld [tilespmem:s12+$0x0];
	v9 =	vpop (erf);
	(erf) = vpow2.f32 v6  }
0xa8: {  	v1 =	vmul.f32 v9, v1;
	v9 =	vld [tilespmem:s31+$0xFFFFFF80]  }
0xa9: {  	v6 =	vld [tilespmem:s12+$0xFFFFFF80]  }
0xaa: {  	[tilespmem:s10+$0x20] =	vst v1;
	v1 =	vld [tilespmem:s10+$0x30]  }
0xab: {  	v13 =	vld [tilespmem:s5+$0x30];
	_ =	sdelay $0x2  }
0xac: {  	v8 =	vadd.f32 v11, v8  }
0xad: {  	v6 =	vadd.f32 v9, v6  }
0xae: {  	v9 =	vmul.f32 v8, v8;
	v11 =	vadd.f32 v13, v1;
	v13 =	vpop (erf)  }
0xaf: {  	v1 =	vmul.f32 v6, v6;
	v13 =	vadd.f32 $1.000000000e+00, v13  }
0xb0: {  	v9 =	vmul.f32 $7.135481390e-02, v9;
	v14 =	vmul.f32 v11, v11  }
0xb1: {  	v1 =	vmul.f32 $7.135481390e-02, v1;
	(erf) = vrcp.f32 v13  }
0xb2: {  	v9 =	vsub.f32 $-1.595769170e+00, v9;
	v13 =	vmul.f32 $7.135481390e-02, v14  }
0xb3: {  	v1 =	vsub.f32 $-1.595769170e+00, v1  }
0xb4: {  	v9 =	vmul.f32 v9, v8;
	v13 =	vsub.f32 $-1.595769170e+00, v13  }
0xb5: {  	v1 =	vmul.f32 v1, v6  }
0xb6: {  	v9 =	vmul.f32 $1.442695020e+00, v9;
	v13 =	vmul.f32 v13, v11  }
0xb7: {  	v1 =	vmul.f32 $1.442695020e+00, v1  }
0xb8: {  	(erf) = vpow2.f32 v9;
	v9 =	vmul.f32 $1.442695020e+00, v13  }
0xb9: {  	(erf) = vpow2.f32 v1;
	v1 =	vmul.f32 v7, v12  }
0xba: {  	(erf) = vpow2.f32 v9;
	v7 =	vpop (erf)  }
0xbb: {  	v1 =	vmul.f32 v7, v1;
	_ =	sdelay $0x1  }
0xbc: {  	v7 =	vld [tilespmem:s11+$0x20];
	[tilespmem:s11+$0x10] =	vst v1  }
0xbd: {  	v1 =	vld [tilespmem:s3+$0x20];
	_ =	sdelay $0x2  }
0xbe: {  	v9 =	vpop (erf)  }
0xbf: {  	s13 =	simm.s32 $0x100;
	v9 =	vadd.f32 $1.000000000e+00, v9;
	v13 =	vpop (erf)  }
0xc0: {  	s2 =	sand.u32 $0x1E00, s13;
	v13 =	vadd.f32 $1.000000000e+00, v13;
	v14 =	vpop (erf);
	v7 =	vadd.f32 v1, v7  }
0xc1: {  	s14 =	simm.s32 $0x50;
	s13 =	sand.u32 $0x60, s0;
	s2 =	sshrl.u32 s2, $0x2;
	(erf) = vrcp.f32 v9;
	v1 =	vadd.f32 $1.000000000e+00, v14  }
0xc2: {  	s8 =	sand.u32 $0x70, s14;
	s6 =	sor.u32 s13, s6;
	s2 =	sadd.s32 $0x14100, s2;
	(erf) = vrcp.f32 v13;
	v9 =	vmul.f32 v7, v7  }
0xc3: {  	s8 =	sor.u32 s8, s2;
	v13 =	vld [tilespmem:s6+$0x0];
	(erf) = vrcp.f32 v1  }
0xc4: {  	v1 =	vld [tilespmem:s8+$0x0];
	v9 =	vmul.f32 $7.135481390e-02, v9;
	_ =	sdelay $0x1  }
0xc5: {  	v9 =	vsub.f32 $-1.595769170e+00, v9;
	_ =	sdelay $0x1  }
0xc6: {  	v2 =	vmul.f32 v2, v13;
	v9 =	vmul.f32 v9, v7  }
0xc7: {  	v14 =	vmul.f32 v8, v1  }
0xc8: {  	v15 =	vpop (erf);
	v2 =	vmul.f32 v3, v2;
	v9 =	vmul.f32 $1.442695020e+00, v9  }
0xc9: {  	v11 =	vmul.f32 v11, v10;
	v8 =	vpop (erf);
	v14 =	vmul.f32 v15, v14  }
0xca: {  	v16 =	vld [tilespmem:s12+$0x10];
	[tilespmem:s10+$0xFFFFFF80] =	vst v2;
	v15 =	vpop (erf);
	(erf) = vpow2.f32 v9  }
0xcb: {  	v2 =	vld [tilespmem:s10+$0x40];
	[tilespmem:s12+$0x0] =	vst v14;
	v11 =	vmul.f32 v15, v11  }
0xcc: {  	v3 =	vld [tilespmem:s31+$0x10]  }
0xcd: {  	v14 =	vld [tilespmem:s5+$0xFFFFFF90];
	[tilespmem:s10+$0x30] =	vst v11  }
0xce: {  	v11 =	vld [tilespmem:s5+$0x40]  }
0xcf: {  	v9 =	vld [tilespmem:s10+$0xFFFFFF90];
	_ =	sdelay $0x1  }
0xd0: {  	v3 =	vadd.f32 v3, v16;
	_ =	sdelay $0x1  }
0xd1: {  	v15 =	vmul.f32 v3, v3;
	v2 =	vadd.f32 v11, v2;
	v11 =	vpop (erf)  }
0xd2: {  	v9 =	vadd.f32 v14, v9;
	v11 =	vadd.f32 $1.000000000e+00, v11  }
0xd3: {  	v14 =	vmul.f32 $7.135481390e-02, v15;
	v15 =	vmul.f32 v2, v2  }
0xd4: {  	s17 =	simm.s32 $0x14C80;
	v16 =	vmul.f32 v9, v9;
	(erf) = vrcp.f32 v11  }
0xd5: {  	v17 =	vld [tilespmem:s17+$0x0];
	s13 =	simm.s32 $0x18C80;
	v14 =	vsub.f32 $-1.595769170e+00, v14;
	v15 =	vmul.f32 $7.135481390e-02, v15  }
0xd6: {  	v16 =	vmul.f32 $7.135481390e-02, v16;
	v11 =	vld [tilespmem:s13+$0x0]  }
0xd7: {  	v18 =	vld [tilespmem:s17+$0xFFFFFF80];
	v14 =	vmul.f32 v14, v3;
	v15 =	vsub.f32 $-1.595769170e+00, v15  }
0xd8: {  	v19 =	vld [tilespmem:s13+$0xFFFFFF80];
	v16 =	vsub.f32 $-1.595769170e+00, v16  }
0xd9: {  	v14 =	vmul.f32 $1.442695020e+00, v14;
	v15 =	vmul.f32 v15, v2  }
0xda: {  	v16 =	vmul.f32 v16, v9  }
0xdb: {  	(erf) = vpow2.f32 v14;
	v11 =	vadd.f32 v17, v11;
	v14 =	vmul.f32 $1.442695020e+00, v15  }
0xdc: {  	v16 =	vmul.f32 $1.442695020e+00, v16;
	v15 =	vmul.f32 v7, v12  }
0xdd: {  	v7 =	vadd.f32 v18, v19;
	v17 =	vmul.f32 v11, v11;
	(erf) = vpow2.f32 v14;
	v18 =	vpop (erf)  }
0xde: {  	(erf) = vpow2.f32 v16;
	v14 =	vmul.f32 v18, v15  }
0xdf: {  	v15 =	vmul.f32 v7, v7  }
0xe0: {  	v16 =	vmul.f32 $7.135481390e-02, v17;
	[tilespmem:s11+$0x20] =	vst v14;
	v14 =	vld [tilespmem:s11+$0x30]  }
0xe1: {  	v15 =	vmul.f32 $7.135481390e-02, v15;
	v17 =	vld [tilespmem:s3+$0x30]  }
0xe2: {  	v16 =	vsub.f32 $-1.595769170e+00, v16  }
0xe3: {  	v15 =	vsub.f32 $-1.595769170e+00, v15  }
0xe4: {  	v16 =	vmul.f32 v16, v11;
	v18 =	vpop (erf)  }
0xe5: {  	v18 =	vadd.f32 $1.000000000e+00, v18;
	v15 =	vmul.f32 v15, v7  }
0xe6: {  	v16 =	vmul.f32 $1.442695020e+00, v16;
	v19 =	vpop (erf);
	v14 =	vadd.f32 v17, v14  }
0xe7: {  	(erf) = vrcp.f32 v18;
	v15 =	vmul.f32 $1.442695020e+00, v15;
	v17 =	vpop (erf)  }
0xe8: {  	(erf) = vpow2.f32 v16;
	v16 =	vadd.f32 $1.000000000e+00, v17;
	v17 =	vmul.f32 v14, v14;
	_ =	sdelay $0x1  }
0xe9: {  	(erf) = vpow2.f32 v15;
	v15 =	vmul.f32 $7.135481390e-02, v17  }
0xea: {  	(erf) = vrcp.f32 v16  }
0xeb: {  	v15 =	vsub.f32 $-1.595769170e+00, v15;
	_ =	sdelay $0x1  }
0xec: {  	v15 =	vmul.f32 v15, v14  }
0xed: {  	v16 =	vadd.f32 $1.000000000e+00, v19  }
0xee: {  	v3 =	vmul.f32 v3, v1;
	v15 =	vmul.f32 $1.442695020e+00, v15  }
0xef: {  	v17 =	vpop (erf)  }
0xf0: {  	(erf) = vrcp.f32 v16;
	v18 =	vpop (erf);
	v3 =	vmul.f32 v17, v3  }
0xf1: {  	v9 =	vmul.f32 v9, v13;
	v16 =	vpop (erf);
	(erf) = vpow2.f32 v15  }
0xf2: {  	v17 =	vld [tilespmem:s12+$0x20];
	[tilespmem:s12+$0x10] =	vst v3;
	v15 =	vpop (erf)  }
0xf3: {  	v3 =	vmul.f32 v15, v9;
	v9 =	vld [tilespmem:s31+$0x20];
	_ =	sdelay $0x1  }
0xf4: {  	[tilespmem:s10+$0xFFFFFF90] =	vst v3;
	v3 =	vld [tilespmem:s10+$0xFFFFFFA0]  }
0xf5: {  	v15 =	vld [tilespmem:s5+$0xFFFFFFA0];
	_ =	sdelay $0x1  }
0xf6: {  	s15 =	simm.s32 $0x180;
	v18 =	vadd.f32 $1.000000000e+00, v18;
	v17 =	vadd.f32 v9, v17  }
0xf7: {  	s6 =	sand.u32 $0x1E00, s15;
	v2 =	vmul.f32 v2, v10;
	v9 =	vpop (erf)  }
0xf8: {  	s16 =	simm.s32 $0x70;
	s6 =	sshrl.u32 s6, $0x2;
	v16 =	vadd.f32 $1.000000000e+00, v16;
	(erf) = vrcp.f32 v18;
	v19 =	vpop (erf);
	v18 =	vmul.f32 v17, v17  }
0xf9: {  	s6 =	sadd.s32 $0x14100, s6;
	s8 =	sand.u32 $0x70, s16;
	v9 =	vmul.f32 v9, v2;
	v19 =	vadd.f32 $1.000000000e+00, v19;
	v15 =	vadd.f32 v15, v3  }
0xfa: {  	s8 =	sor.u32 s8, s6;
	(erf) = vrcp.f32 v16;
	v16 =	vld [tilespmem:s10+$0x50];
	v3 =	vmul.f32 $7.135481390e-02, v18  }
0xfb: {  	v2 =	vld [tilespmem:s8+$0x0];
	[tilespmem:s10+$0x40] =	vst v9;
	(erf) = vrcp.f32 v19;
	v9 =	vmul.f32 v15, v15  }
0xfc: {  	v18 =	vld [tilespmem:s5+$0x50];
	v3 =	vsub.f32 $-1.595769170e+00, v3  }
0xfd: {  	v9 =	vmul.f32 $7.135481390e-02, v9  }
0xfe: {  	s18 =	simm.s32 $0x20;
	v3 =	vmul.f32 v3, v17  }
0xff: {  	s8 =	sand.u32 $0x60, s18;
	v9 =	vsub.f32 $-1.595769170e+00, v9  }
0x100: {  	s7 =	sor.u32 s8, s26;
	v11 =	vmul.f32 v11, v2;
	v19 =	vmul.f32 $1.442695020e+00, v3  }
0x101: {  	v14 =	vmul.f32 v14, v12;
	v21 =	vpop (erf);
	v16 =	vadd.f32 v18, v16;
	v3 =	vld [tilespmem:s7+$0x0];
	v20 =	vmul.f32 v9, v15  }
0x102: {  	v11 =	vmul.f32 v21, v11;
	(erf) = vpow2.f32 v19  }
0x103: {  	v9 =	vpop (erf);
	v18 =	vmul.f32 $1.442695020e+00, v20;
	v20 =	vmul.f32 v16, v16  }
0x104: {  	v19 =	vpop (erf)  }
0x105: {  	[tilespmem:s13+$0x0] =	vst v11;
	v14 =	vmul.f32 v19, v14;
	v11 =	vmul.f32 $7.135481390e-02, v20  }
0x106: {  	v21 =	vld [tilespmem:s13+$0x10];
	(erf) = vpow2.f32 v18;
	v4 =	vmul.f32 v4, v3  }
0x107: {  	v18 =	vld [tilespmem:s17+$0x10];
	v11 =	vsub.f32 $-1.595769170e+00, v11  }
0x108: {  	[tilespmem:s11+$0x30] =	vst v14;
	v4 =	vmul.f32 v5, v4;
	v5 =	vld [tilespmem:s11+$0x40]  }
0x109: {  	v14 =	vld [tilespmem:s3+$0x40];
	v11 =	vmul.f32 v11, v16;
	_ =	sdelay $0x1  }
0x10a: {  	v11 =	vmul.f32 $1.442695020e+00, v11  }
0x10b: {  	v18 =	vadd.f32 v18, v21;
	v20 =	vpop (erf)  }
0x10c: {  	v19 =	vld [tilespmem:s11+$0xFFFFFF90];
	[tilespmem:s11+$0xFFFFFF80] =	vst v4;
	v20 =	vadd.f32 $1.000000000e+00, v20  }
0x10d: {  	v4 =	vld [tilespmem:s3+$0xFFFFFF90];
	v21 =	vmul.f32 v18, v18;
	v5 =	vadd.f32 v14, v5;
	(erf) = vpow2.f32 v11  }
0x10e: {  	(erf) = vrcp.f32 v20;
	v11 =	vpop (erf)  }
0x10f: {  	v14 =	vmul.f32 $7.135481390e-02, v21;
	v20 =	vmul.f32 v5, v5;
	v11 =	vadd.f32 $1.000000000e+00, v11;
	_ =	sdelay $0x1  }
0x110: {  	(erf) = vrcp.f32 v11;
	v11 =	vsub.f32 $-1.595769170e+00, v14;
	v14 =	vmul.f32 $7.135481390e-02, v20  }
0x111: {  	v4 =	vadd.f32 v4, v19  }
0x112: {  	s14 =	simm.s32 $0x18D80;
	v11 =	vmul.f32 v11, v18;
	v14 =	vsub.f32 $-1.595769170e+00, v14  }
0x113: {  	v23 =	vld [tilespmem:s14+$0xFFFFFF80];
	s7 =	simm.s32 $0x14D80;
	v19 =	vmul.f32 v4, v4  }
0x114: {  	v21 =	vld [tilespmem:s7+$0x0];
	v11 =	vmul.f32 $1.442695020e+00, v11;
	v14 =	vmul.f32 v14, v5  }
0x115: {  	v20 =	vld [tilespmem:s14+$0x0];
	v19 =	vmul.f32 $7.135481390e-02, v19  }
0x116: {  	v22 =	vld [tilespmem:s7+$0xFFFFFF80];
	v14 =	vmul.f32 $1.442695020e+00, v14  }
0x117: {  	v17 =	vmul.f32 v17, v1;
	v19 =	vsub.f32 $-1.595769170e+00, v19;
	v24 =	vpop (erf);
	(erf) = vpow2.f32 v11  }
0x118: {  	v15 =	vmul.f32 v15, v13;
	v11 =	vpop (erf)  }
0x119: {  	v11 =	vmul.f32 v11, v17;
	v17 =	vmul.f32 v19, v4  }
0x11a: {  	v20 =	vadd.f32 v21, v20;
	(erf) = vpow2.f32 v14;
	v19 =	vadd.f32 $1.000000000e+00, v24;
	v14 =	vpop (erf)  }
0x11b: {  	[tilespmem:s12+$0x20] =	vst v11;
	v17 =	vmul.f32 $1.442695020e+00, v17;
	v14 =	vmul.f32 v14, v15;
	v11 =	vadd.f32 v22, v23;
	v15 =	vld [tilespmem:s12+$0x30]  }
0x11c: {  	(erf) = vrcp.f32 v19;
	v19 =	vmul.f32 v20, v20;
	v21 =	vld [tilespmem:s31+$0x30]  }
0x11d: {  	(erf) = vpow2.f32 v17;
	[tilespmem:s10+$0xFFFFFFA0] =	vst v14;
	v14 =	vmul.f32 v11, v11;
	v17 =	vld [tilespmem:s10+$0xFFFFFFB0]  }
0x11e: {  	v19 =	vmul.f32 $7.135481390e-02, v19;
	v22 =	vld [tilespmem:s5+$0xFFFFFFB0]  }
0x11f: {  	v14 =	vmul.f32 $7.135481390e-02, v14  }
0x120: {  	v19 =	vsub.f32 $-1.595769170e+00, v19;
	v23 =	vpop (erf)  }
0x121: {  	v23 =	vadd.f32 $1.000000000e+00, v23;
	v14 =	vsub.f32 $-1.595769170e+00, v14  }
0x122: {  	v19 =	vmul.f32 v19, v20;
	v15 =	vadd.f32 v21, v15  }
0x123: {  	(erf) = vrcp.f32 v23;
	v14 =	vmul.f32 v14, v11;
	v17 =	vadd.f32 v22, v17  }
0x124: {  	v21 =	vpop (erf);
	v19 =	vmul.f32 $1.442695020e+00, v19;
	v22 =	vmul.f32 v15, v15  }
0x125: {  	v23 =	vpop (erf);
	v14 =	vmul.f32 $1.442695020e+00, v14;
	v24 =	vmul.f32 v17, v17  }
0x126: {  	(erf) = vpow2.f32 v19;
	v19 =	vmul.f32 $7.135481390e-02, v22;
	v25 =	vpop (erf)  }
0x127: {  	v22 =	vadd.f32 $1.000000000e+00, v25  }
0x128: {  	(erf) = vpow2.f32 v14;
	v14 =	vmul.f32 $7.135481390e-02, v24;
	v19 =	vsub.f32 $-1.595769170e+00, v19;
	_ =	sdelay $0x1  }
0x129: {  	(erf) = vrcp.f32 v22;
	v14 =	vsub.f32 $-1.595769170e+00, v14;
	v19 =	vmul.f32 v19, v15  }
0x12a: {  	v21 =	vadd.f32 $1.000000000e+00, v21  }
0x12b: {  	v14 =	vmul.f32 v14, v17;
	v19 =	vmul.f32 $1.442695020e+00, v19  }
0x12c: {  	v18 =	vmul.f32 v18, v2  }
0x12d: {  	(erf) = vrcp.f32 v21;
	v14 =	vmul.f32 $1.442695020e+00, v14  }
0x12e: {  	v16 =	vmul.f32 v16, v10;
	v21 =	vpop (erf);
	(erf) = vpow2.f32 v19  }
0x12f: {  	v19 =	vpop (erf);
	(erf) = vpow2.f32 v14;
	v14 =	vmul.f32 v21, v18;
	_ =	sdelay $0x1  }
0x130: {  	v4 =	vmul.f32 v4, v3;
	v16 =	vmul.f32 v23, v16;
	v21 =	vld [tilespmem:s13+$0x20];
	v18 =	vpop (erf);
	[tilespmem:s13+$0x10] =	vst v14  }
0x131: {  	v22 =	vpop (erf);
	v14 =	vld [tilespmem:s17+$0x20]  }
0x132: {  	v23 =	vld [tilespmem:s10+$0x60];
	[tilespmem:s10+$0x50] =	vst v16;
	v4 =	vmul.f32 v22, v4  }
0x133: {  	v16 =	vld [tilespmem:s5+$0x60]  }
0x134: {  	v19 =	vadd.f32 $1.000000000e+00, v19;
	[tilespmem:s11+$0xFFFFFF90] =	vst v4;
	v4 =	vld [tilespmem:s11+$0xFFFFFFA0]  }
0x135: {  	s21 =	simm.s32 $0x200;
	v18 =	vadd.f32 $1.000000000e+00, v18;
	v22 =	vpop (erf);
	v24 =	vld [tilespmem:s3+$0xFFFFFFA0]  }
0x136: {  	s8 =	sand.u32 $0x1E00, s21;
	(erf) = vrcp.f32 v19;
	v25 =	vpop (erf);
	v21 =	vadd.f32 v14, v21  }
0x137: {  	s18 =	simm.s32 $0x90;
	s8 =	sshrl.u32 s8, $0x2;
	v5 =	vmul.f32 v5, v12;
	(erf) = vrcp.f32 v18;
	v19 =	vadd.f32 $1.000000000e+00, v25;
	v14 =	vpop (erf)  }
0x138: {  	s18 =	sand.u32 $0x70, s18;
	s8 =	sadd.s32 $0x14100, s8;
	v18 =	vadd.f32 $1.000000000e+00, v14;
	v14 =	vadd.f32 v16, v23;
	v16 =	vmul.f32 v21, v21  }
0x139: {  	s18 =	sor.u32 s18, s8;
	v5 =	vmul.f32 v22, v5;
	(erf) = vrcp.f32 v19  }
0x13a: {  	v19 =	vadd.f32 v24, v4;
	(erf) = vrcp.f32 v18;
	v4 =	vld [tilespmem:s18+$0x0];
	v16 =	vmul.f32 $7.135481390e-02, v16  }
0x13b: {  	v22 =	vld [tilespmem:s11+$0x50];
	[tilespmem:s11+$0x40] =	vst v5;
	v18 =	vmul.f32 v14, v14  }
0x13c: {  	v23 =	vld [tilespmem:s3+$0x50];
	v5 =	vmul.f32 v19, v19;
	v16 =	vsub.f32 $-1.595769170e+00, v16  }
0x13d: {  	v18 =	vmul.f32 $7.135481390e-02, v18  }
0x13e: {  	v5 =	vmul.f32 $7.135481390e-02, v5;
	v16 =	vmul.f32 v16, v21  }
0x13f: {  	v18 =	vsub.f32 $-1.595769170e+00, v18;
	v20 =	vmul.f32 v20, v4  }
0x140: {  	s22 =	simm.s32 $0x40;
	v24 =	vmul.f32 v17, v13;
	v25 =	vpop (erf);
	v5 =	vsub.f32 $-1.595769170e+00, v5;
	v26 =	vmul.f32 $1.442695020e+00, v16  }
0x141: {  	s18 =	sand.u32 $0x60, s22;
	v17 =	vpop (erf);
	v18 =	vmul.f32 v18, v14;
	v16 =	vadd.f32 v23, v22;
	v20 =	vmul.f32 v25, v20  }
0x142: {  	s2 =	sor.u32 s18, s2;
	v25 =	vpop (erf);
	v27 =	vmul.f32 v5, v19;
	(erf) = vpow2.f32 v26  }
0x143: {  	v5 =	vld [tilespmem:s2+$0x0];
	v18 =	vmul.f32 $1.442695020e+00, v18;
	v26 =	vmul.f32 v16, v16;
	v22 =	vpop (erf)  }
0x144: {  	v22 =	vmul.f32 v22, v24;
	v24 =	vmul.f32 $1.442695020e+00, v27  }
0x145: {  	v15 =	vmul.f32 v15, v1;
	v23 =	vld [tilespmem:s14+$0x10];
	[tilespmem:s14+$0x0] =	vst v20;
	(erf) = vpow2.f32 v18  }
0x146: {  	v18 =	vld [tilespmem:s7+$0x10];
	v20 =	vmul.f32 $7.135481390e-02, v26;
	(erf) = vpow2.f32 v24  }
0x147: {  	[tilespmem:s10+$0xFFFFFFB0] =	vst v22;
	v22 =	vld [tilespmem:s10+$0xFFFFFFC0]  }
0x148: {  	v15 =	vmul.f32 v25, v15;
	v20 =	vsub.f32 $-1.595769170e+00, v20;
	v6 =	vmul.f32 v6, v5;
	v24 =	vld [tilespmem:s5+$0xFFFFFFC0];
	_ =	sdelay $0x1  }
0x149: {  	[tilespmem:s12+$0x30] =	vst v15;
	v15 =	vmul.f32 v20, v16;
	v6 =	vmul.f32 v8, v6  }
0x14a: {  	v8 =	vld [tilespmem:s31+$0x40];
	v18 =	vadd.f32 v18, v23  }
0x14b: {  	v15 =	vmul.f32 $1.442695020e+00, v15;
	[tilespmem:s12+$0xFFFFFF80] =	vst v6;
	v6 =	vld [tilespmem:s12+$0x40]  }
0x14c: {  	v25 =	vld [tilespmem:s12+$0xFFFFFF90];
	v23 =	vpop (erf);
	v22 =	vadd.f32 v24, v22;
	v24 =	vmul.f32 v18, v18  }
0x14d: {  	v20 =	vld [tilespmem:s31+$0xFFFFFF90];
	v23 =	vadd.f32 $1.000000000e+00, v23;
	(erf) = vpow2.f32 v15;
	v26 =	vpop (erf)  }
0x14e: {  	v15 =	vmul.f32 v22, v22;
	v24 =	vmul.f32 $7.135481390e-02, v24;
	v27 =	vpop (erf)  }
0x14f: {  	(erf) = vrcp.f32 v23;
	v23 =	vadd.f32 $1.000000000e+00, v27  }
0x150: {  	v8 =	vadd.f32 v8, v6;
	v6 =	vmul.f32 $7.135481390e-02, v15;
	v15 =	vsub.f32 $-1.595769170e+00, v24;
	_ =	sdelay $0x1  }
0x151: {  	v20 =	vadd.f32 v20, v25;
	(erf) = vrcp.f32 v23;
	v15 =	vmul.f32 v15, v18  }
0x152: {  	v23 =	vmul.f32 v8, v8;
	v6 =	vsub.f32 $-1.595769170e+00, v6  }
0x153: {  	s18 =	simm.s32 $0x18E80;
	v25 =	vadd.f32 $1.000000000e+00, v26;
	v24 =	vmul.f32 v20, v20;
	v15 =	vmul.f32 $1.442695020e+00, v15  }
0x154: {  	v28 =	vld [tilespmem:s18+$0xFFFFFF80];
	s2 =	simm.s32 $0x14E80;
	v23 =	vmul.f32 $7.135481390e-02, v23;
	v6 =	vmul.f32 v6, v22  }
0x155: {  	(erf) = vrcp.f32 v25;
	v25 =	vld [tilespmem:s2+$0xFFFFFF80]  }
0x156: {  	v27 =	vld [tilespmem:s2+$0x0];
	v24 =	vmul.f32 $7.135481390e-02, v24;
	v23 =	vsub.f32 $-1.595769170e+00, v23;
	v6 =	vmul.f32 $1.442695020e+00, v6  }
0x157: {  	v21 =	vmul.f32 v21, v2;
	v26 =	vld [tilespmem:s18+$0x0];
	(erf) = vpow2.f32 v15;
	v15 =	vpop (erf)  }
0x158: {  	s21 =	simm.s32 $0x60;
	v24 =	vsub.f32 $-1.595769170e+00, v24;
	v23 =	vmul.f32 v23, v8;
	(erf) = vpow2.f32 v6;
	v29 =	vpop (erf)  }
0x159: {  	s21 =	sand.u32 $0x60, s21;
	v19 =	vmul.f32 v19, v3;
	v21 =	vmul.f32 v29, v21  }
0x15a: {  	s6 =	sor.u32 s21, s6;
	v24 =	vmul.f32 v24, v20;
	v23 =	vmul.f32 $1.442695020e+00, v23;
	v29 =	vpop (erf)  }
0x15b: {  	v6 =	vld [tilespmem:s6+$0x0];
	v30 =	vadd.f32 $1.000000000e+00, v15;
	v15 =	vadd.f32 v25, v28;
	[tilespmem:s13+$0x20] =	vst v21;
	v21 =	vmul.f32 v29, v19  }
0x15c: {  	v19 =	vadd.f32 v27, v26;
	v26 =	vld [tilespmem:s13+$0x30];
	(erf) = vpow2.f32 v23;
	v23 =	vmul.f32 $1.442695020e+00, v24  }
0x15d: {  	v25 =	vmul.f32 v15, v15;
	v24 =	vld [tilespmem:s17+$0x30];
	(erf) = vrcp.f32 v30  }
0x15e: {  	[tilespmem:s11+$0xFFFFFFA0] =	vst v21;
	(erf) = vpow2.f32 v23;
	v23 =	vld [tilespmem:s11+$0xFFFFFFB0]  }
0x15f: {  	s23 =	simm.s32 $0x80;
	v27 =	vpop (erf);
	v25 =	vmul.f32 $7.135481390e-02, v25;
	v28 =	vld [tilespmem:s3+$0xFFFFFFB0]  }
0x160: {  	s6 =	sand.u32 $0x60, s23;
	v7 =	vmul.f32 v7, v6;
	v21 =	vmul.f32 v19, v19;
	v29 =	vpop (erf)  }
0x161: {  	v22 =	vmul.f32 v22, v13;
	s6 =	sor.u32 s6, s8;
	v25 =	vsub.f32 $-1.595769170e+00, v25;
	v29 =	vadd.f32 $1.000000000e+00, v29;
	v30 =	vpop (erf)  }
0x162: {  	v9 =	vmul.f32 v9, v7;
	v7 =	vld [tilespmem:s6+$0x0];
	v21 =	vmul.f32 $7.135481390e-02, v21;
	v30 =	vadd.f32 $1.000000000e+00, v30  }
0x163: {  	v25 =	vmul.f32 v25, v15;
	(erf) = vrcp.f32 v29;
	v24 =	vadd.f32 v24, v26  }
0x164: {  	v21 =	vsub.f32 $-1.595769170e+00, v21;
	(erf) = vrcp.f32 v30;
	v23 =	vadd.f32 v28, v23  }
0x165: {  	v25 =	vmul.f32 $1.442695020e+00, v25;
	v26 =	vmul.f32 v24, v24  }
0x166: {  	v21 =	vmul.f32 v21, v19;
	v30 =	vmul.f32 v23, v23  }
0x167: {  	v11 =	vmul.f32 v11, v7;
	v28 =	vpop (erf);
	v26 =	vmul.f32 $7.135481390e-02, v26  }
0x168: {  	v21 =	vmul.f32 $1.442695020e+00, v21;
	v29 =	vpop (erf);
	v30 =	vmul.f32 $7.135481390e-02, v30  }
0x169: {  	v11 =	vmul.f32 v17, v11;
	v17 =	vadd.f32 $1.000000000e+00, v28;
	v31 =	vpop (erf);
	v26 =	vsub.f32 $-1.595769170e+00, v26  }
0x16a: {  	[tilespmem:s13+$0xFFFFFF80] =	vst v9;
	(erf) = vpow2.f32 v21;
	v21 =	vadd.f32 $1.000000000e+00, v31;
	v9 =	vsub.f32 $-1.595769170e+00, v30  }
0x16b: {  	(erf) = vpow2.f32 v25;
	v25 =	vmul.f32 v26, v24  }
0x16c: {  	v31 =	vld [tilespmem:s13+$0xFFFFFF90];
	(erf) = vrcp.f32 v21;
	v28 =	vpop (erf);
	v9 =	vmul.f32 v9, v23  }
0x16d: {  	[tilespmem:s14+$0xFFFFFF80] =	vst v11;
	v21 =	vld [tilespmem:s17+$0xFFFFFF90];
	(erf) = vrcp.f32 v17;
	v11 =	vmul.f32 $1.442695020e+00, v25;
	v17 =	vpop (erf)  }
0x16e: {  	v26 =	vld [tilespmem:s14+$0xFFFFFF90];
	v17 =	vmul.f32 v17, v22;
	v9 =	vmul.f32 $1.442695020e+00, v9  }
0x16f: {  	v18 =	vmul.f32 v18, v4;
	v25 =	vld [tilespmem:s7+$0xFFFFFF90];
	(erf) = vpow2.f32 v11  }
0x170: {  	v22 =	vld [tilespmem:s10+$0xFFFFFFD0];
	[tilespmem:s10+$0xFFFFFFC0] =	vst v17;
	(erf) = vpow2.f32 v9  }
0x171: {  	v9 =	vmul.f32 v16, v12;
	v17 =	vmul.f32 v28, v18;
	v28 =	vld [tilespmem:s5+$0xFFFFFFD0];
	_ =	sdelay $0x1  }
0x172: {  	v30 =	vld [tilespmem:s14+$0x20];
	v11 =	vadd.f32 v21, v31;
	v21 =	vpop (erf);
	[tilespmem:s14+$0x10] =	vst v17;
	v9 =	vmul.f32 v29, v9  }
0x173: {  	v18 =	vmul.f32 v20, v5;
	v16 =	vadd.f32 v25, v26;
	v31 =	vpop (erf);
	v26 =	vld [tilespmem:s7+$0x20]  }
0x174: {  	v8 =	vmul.f32 v8, v1;
	v25 =	vld [tilespmem:s11+$0x60];
	v17 =	vpop (erf);
	[tilespmem:s11+$0x50] =	vst v9;
	v9 =	vmul.f32 v14, v10  }
0x175: {  	v29 =	vmul.f32 v16, v16;
	v17 =	vmul.f32 v17, v18;
	v14 =	vld [tilespmem:s3+$0x60];
	v22 =	vadd.f32 v28, v22  }
0x176: {  	v24 =	vmul.f32 v24, v2;
	v21 =	vadd.f32 $1.000000000e+00, v21;
	v9 =	vmul.f32 v27, v9  }
0x177: {  	v28 =	vpop (erf);
	v27 =	vadd.f32 $1.000000000e+00, v31;
	[tilespmem:s12+$0xFFFFFF90] =	vst v17;
	v17 =	vmul.f32 $7.135481390e-02, v29;
	v29 =	vld [tilespmem:s12+$0xFFFFFFA0];
	v33 =	vmul.f32 v22, v22  }
0x178: {  	s24 =	simm.s32 $0x280;
	v23 =	vmul.f32 v23, v3;
	(erf) = vrcp.f32 v21;
	v31 =	vpop (erf);
	v32 =	vld [tilespmem:s31+$0xFFFFFFA0];
	v26 =	vadd.f32 v26, v30  }
0x179: {  	s6 =	sand.u32 $0x1E00, s24;
	v21 =	vadd.f32 $1.000000000e+00, v31;
	[tilespmem:s10+$0x60] =	vst v9;
	(erf) = vrcp.f32 v27;
	v30 =	vpop (erf);
	v9 =	vmul.f32 $7.135481390e-02, v33  }
0x17a: {  	s26 =	simm.s32 $0xB0;
	s6 =	sshrl.u32 s6, $0x2;
	v27 =	vadd.f32 $1.000000000e+00, v30;
	v30 =	vld [tilespmem:s5+$0x70];
	v14 =	vadd.f32 v14, v25;
	v25 =	vmul.f32 v26, v26  }
0x17b: {  	s8 =	sand.u32 $0x70, s26;
	s6 =	sadd.s32 $0x14100, s6;
	v20 =	vmul.f32 v11, v11;
	(erf) = vrcp.f32 v21;
	v21 =	vld [tilespmem:s10+$0x70];
	v9 =	vsub.f32 $-1.595769170e+00, v9  }
0x17c: {  	s8 =	sor.u32 s8, s6;
	v28 =	vmul.f32 v28, v8;
	v25 =	vmul.f32 $7.135481390e-02, v25  }
0x17d: {  	v8 =	vld [tilespmem:s8+$0x0];
	(erf) = vrcp.f32 v27;
	v27 =	vadd.f32 v32, v29;
	v9 =	vmul.f32 v9, v22  }
0x17e: {  	v20 =	vmul.f32 $7.135481390e-02, v20;
	[tilespmem:s12+$0x40] =	vst v28;
	v28 =	vmul.f32 v14, v14;
	v25 =	vsub.f32 $-1.595769170e+00, v25  }
0x17f: {  	v36 =	vld [tilespmem:s31+$0x50];
	v31 =	vmul.f32 v27, v27;
	v9 =	vmul.f32 $1.442695020e+00, v9  }
0x180: {  	v29 =	vld [tilespmem:s12+$0x50];
	v28 =	vmul.f32 $7.135481390e-02, v28;
	v30 =	vadd.f32 v30, v21;
	v21 =	vmul.f32 v25, v26  }
0x181: {  	v20 =	vsub.f32 $-1.595769170e+00, v20;
	v25 =	vmul.f32 $7.135481390e-02, v31;
	(erf) = vpow2.f32 v9  }
0x182: {  	v18 =	vmul.f32 v11, v6;
	v19 =	vmul.f32 v19, v8;
	v28 =	vsub.f32 $-1.595769170e+00, v28  }
0x183: {  	s15 =	simm.s32 $0xA0;
	v11 =	vmul.f32 v20, v11;
	v9 =	vmul.f32 $1.442695020e+00, v21;
	v31 =	vpop (erf);
	v21 =	vsub.f32 $-1.595769170e+00, v25  }
0x184: {  	s8 =	sand.u32 $0x60, s15;
	v28 =	vmul.f32 v28, v14;
	v34 =	vpop (erf);
	v19 =	vmul.f32 v31, v19  }
0x185: {  	s6 =	sor.u32 s8, s6;
	v29 =	vadd.f32 v36, v29;
	v31 =	vld [tilespmem:s18+$0x10];
	(erf) = vpow2.f32 v9;
	v25 =	vpop (erf);
	v21 =	vmul.f32 v21, v27  }
0x186: {  	v9 =	vld [tilespmem:s6+$0x0];
	v38 =	vpop (erf);
	[tilespmem:s18+$0x0] =	vst v19;
	v19 =	vmul.f32 $1.442695020e+00, v28;
	v24 =	vmul.f32 v25, v24  }
0x187: {  	v28 =	vmul.f32 v29, v29;
	v23 =	vmul.f32 v38, v23;
	v39 =	vld [tilespmem:s2+$0x10]  }
0x188: {  	v41 =	vmul.f32 v14, v12;
	v21 =	vmul.f32 $1.442695020e+00, v21  }
0x189: {  	(erf) = vpow2.f32 v19;
	[tilespmem:s11+$0xFFFFFFB0] =	vst v23;
	v23 =	vmul.f32 $7.135481390e-02, v28  }
0x18a: {  	v37 =	vmul.f32 v30, v30;
	v25 =	vld [tilespmem:s11+$0xFFFFFFC0];
	[tilespmem:s13+$0x30] =	vst v24;
	(erf) = vpow2.f32 v21;
	v24 =	vpop (erf)  }
0x18b: {  	v21 =	vmul.f32 v30, v10;
	v28 =	vld [tilespmem:s3+$0xFFFFFFC0];
	v23 =	vsub.f32 $-1.595769170e+00, v23;
	v24 =	vadd.f32 $1.000000000e+00, v24  }
0x18c: {  	v10 =	vmul.f32 $7.135481390e-02, v37;
	v15 =	vmul.f32 v15, v9;
	v31 =	vadd.f32 v39, v31  }
0x18d: {  	v22 =	vmul.f32 v22, v13;
	v14 =	vld [tilespmem:s13+$0x40];
	v23 =	vmul.f32 v23, v29  }
0x18e: {  	v40 =	vld [tilespmem:s17+$0x40];
	v10 =	vsub.f32 $-1.595769170e+00, v10;
	v15 =	vmul.f32 v34, v15;
	v35 =	vmul.f32 v31, v31  }
0x18f: {  	(erf) = vrcp.f32 v24;
	v23 =	vmul.f32 $1.442695020e+00, v23;
	v24 =	vpop (erf)  }
0x190: {  	v10 =	vmul.f32 v10, v30;
	v25 =	vadd.f32 v28, v25;
	v24 =	vadd.f32 $1.000000000e+00, v24  }
0x191: {  	v28 =	vmul.f32 $7.135481390e-02, v35;
	(erf) = vpow2.f32 v23  }
0x192: {  	v42 =	vld [tilespmem:s18+$0xFFFFFF90];
	[tilespmem:s18+$0xFFFFFF80] =	vst v15;
	v23 =	vmul.f32 v25, v25;
	v43 =	vpop (erf);
	(erf) = vrcp.f32 v24  }
0x193: {  	v26 =	vmul.f32 v26, v4;
	v30 =	vadd.f32 v40, v14;
	v15 =	vld [tilespmem:s2+$0xFFFFFF90];
	v14 =	vpop (erf);
	v24 =	vsub.f32 $-1.595769170e+00, v28  }
0x194: {  	s23 =	simm.s32 $0x18F80;
	v10 =	vmul.f32 $1.442695020e+00, v10;
	v23 =	vmul.f32 $7.135481390e-02, v23;
	v14 =	vadd.f32 $1.000000000e+00, v14  }
0x195: {  	v44 =	vld [tilespmem:s23+$0x0];
	v28 =	vmul.f32 v30, v30;
	v24 =	vmul.f32 v24, v31  }
0x196: {  	v46 =	vld [tilespmem:s23+$0xFFFFFF80];
	s24 =	simm.s32 $0x14F80;
	v35 =	vadd.f32 $1.000000000e+00, v43;
	v23 =	vsub.f32 $-1.595769170e+00, v23;
	(erf) = vrcp.f32 v14  }
0x197: {  	v36 =	vld [tilespmem:s24+$0x0];
	v28 =	vmul.f32 $7.135481390e-02, v28;
	v24 =	vmul.f32 $1.442695020e+00, v24  }
0x198: {  	v45 =	vld [tilespmem:s24+$0xFFFFFF80];
	v14 =	vadd.f32 v15, v42;
	(erf) = vrcp.f32 v35;
	v23 =	vmul.f32 v23, v25;
	v37 =	vpop (erf)  }
0x199: {  	v28 =	vsub.f32 $-1.595769170e+00, v28;
	v15 =	vmul.f32 v37, v22;
	(erf) = vpow2.f32 v24  }
0x19a: {  	v24 =	vmul.f32 v14, v14;
	v23 =	vmul.f32 $1.442695020e+00, v23;
	v47 =	vpop (erf)  }
0x19b: {  	v28 =	vmul.f32 v28, v30;
	(erf) = vpow2.f32 v10;
	v10 =	vpop (erf)  }
0x19c: {  	v48 =	vld [tilespmem:s10+$0xFFFFFFE0];
	v22 =	vadd.f32 v36, v44;
	[tilespmem:s10+$0xFFFFFFD0] =	vst v15;
	v15 =	vmul.f32 $7.135481390e-02, v24;
	v10 =	vmul.f32 v10, v26  }
0x19d: {  	v24 =	vmul.f32 $1.442695020e+00, v28;
	(erf) = vpow2.f32 v23;
	v23 =	vld [tilespmem:s5+$0xFFFFFFE0];
	v26 =	vadd.f32 v45, v46  }
0x19e: {  	v27 =	vmul.f32 v27, v5;
	v28 =	vmul.f32 v22, v22;
	v20 =	vadd.f32 $1.000000000e+00, v47  }
0x19f: {  	(erf) = vpow2.f32 v24;
	v24 =	vmul.f32 v26, v26  }
0x1a0: {  	v11 =	vmul.f32 $1.442695020e+00, v11;
	[tilespmem:s14+$0x20] =	vst v10;
	v10 =	vpop (erf)  }
0x1a1: {  	v49 =	vld [tilespmem:s14+$0x30];
	v28 =	vmul.f32 $7.135481390e-02, v28;
	v10 =	vmul.f32 v10, v27  }
0x1a2: {  	v29 =	vmul.f32 v29, v1;
	(erf) = vrcp.f32 v20;
	v23 =	vadd.f32 v23, v48;
	v27 =	vld [tilespmem:s7+$0x30];
	v20 =	vpop (erf)  }
0x1a3: {  	v31 =	vmul.f32 v31, v8;
	v28 =	vsub.f32 $-1.595769170e+00, v28;
	[tilespmem:s12+$0xFFFFFFA0] =	vst v10;
	v10 =	vmul.f32 $7.135481390e-02, v24;
	v24 =	vpop (erf)  }
0x1a4: {  	v51 =	vmul.f32 v23, v23;
	(erf) = vpow2.f32 v11;
	v11 =	vld [tilespmem:s12+$0xFFFFFFB0];
	v24 =	vadd.f32 $1.000000000e+00, v24  }
0x1a5: {  	v25 =	vmul.f32 v25, v3;
	v28 =	vmul.f32 v28, v22;
	v50 =	vld [tilespmem:s31+$0xFFFFFFB0]  }
0x1a6: {  	v52 =	vpop (erf);
	v53 =	vmul.f32 $7.135481390e-02, v51;
	(erf) = vrcp.f32 v24  }
0x1a7: {  	v20 =	vmul.f32 v20, v41;
	v10 =	vsub.f32 $-1.595769170e+00, v10;
	v24 =	vadd.f32 v27, v49;
	v27 =	vpop (erf)  }
0x1a8: {  	v28 =	vmul.f32 $1.442695020e+00, v28;
	v34 =	vsub.f32 $-1.595769170e+00, v53;
	v27 =	vadd.f32 $1.000000000e+00, v27  }
0x1a9: {  	v10 =	vmul.f32 v10, v26;
	v54 =	vmul.f32 v24, v24  }
0x1aa: {  	v55 =	vmul.f32 v34, v23;
	(erf) = vrcp.f32 v27;
	v27 =	vadd.f32 v50, v11  }
0x1ab: {  	v11 =	vpop (erf);
	v10 =	vmul.f32 $1.442695020e+00, v10;
	v32 =	vmul.f32 $7.135481390e-02, v54  }
0x1ac: {  	v56 =	vpop (erf);
	(erf) = vpow2.f32 v28;
	v57 =	vmul.f32 v27, v27  }
0x1ad: {  	s6 =	simm.s32 $0x300;
	v33 =	vmul.f32 $1.442695020e+00, v55;
	(erf) = vpow2.f32 v10;
	v28 =	vsub.f32 $-1.595769170e+00, v32;
	v58 =	vpop (erf)  }
0x1ae: {  	v60 =	vld [tilespmem:s11+$0x70];
	s16 =	sand.u32 $0x1E00, s6;
	[tilespmem:s11+$0x60] =	vst v20;
	v29 =	vmul.f32 v56, v29;
	v10 =	vadd.f32 $1.000000000e+00, v58;
	v20 =	vmul.f32 $7.135481390e-02, v57  }
0x1af: {  	s8 =	simm.s32 $0xC0;
	s21 =	sshrl.u32 s16, $0x2;
	v59 =	vld [tilespmem:s3+$0x70];
	v11 =	vadd.f32 $1.000000000e+00, v11;
	(erf) = vpow2.f32 v33;
	v28 =	vmul.f32 v28, v24;
	v61 =	vpop (erf)  }
0x1b0: {  	v63 =	vld [tilespmem:s18+$0x20];
	s26 =	sand.u32 $0x60, s8;
	s21 =	sadd.s32 $0x14100, s21;
	[tilespmem:s12+$0x50] =	vst v29;
	(erf) = vrcp.f32 v10;
	v20 =	vsub.f32 $-1.595769170e+00, v20;
	v31 =	vmul.f32 v61, v31  }
0x1b1: {  	s26 =	sor.u32 s26, s21;
	v43 =	vld [tilespmem:s31+$0x60];
	v28 =	vmul.f32 $1.442695020e+00, v28;
	(erf) = vrcp.f32 v11  }
0x1b2: {  	s22 =	simm.s32 $0xD0;
	v10 =	vld [tilespmem:s26+$0x0];
	v11 =	vmul.f32 v20, v27;
	v20 =	vmul.f32 v30, v2;
	v30 =	vadd.f32 $1.000000000e+00, v52  }
0x1b3: {  	v19 =	vmul.f32 v16, v7;
	s26 =	sand.u32 $0x70, s22;
	v40 =	vpop (erf);
	(erf) = vpow2.f32 v28;
	v28 =	vld [tilespmem:s12+$0x60];
	[tilespmem:s18+$0x10] =	vst v31  }
0x1b4: {  	v32 =	vadd.f32 v59, v60;
	s21 =	sor.u32 s26, s21;
	v25 =	vmul.f32 v40, v25;
	v31 =	vmul.f32 $1.442695020e+00, v11;
	v41 =	vld [tilespmem:s2+$0x20]  }
0x1b5: {  	v23 =	vmul.f32 v23, v13;
	(erf) = vrcp.f32 v30;
	v11 =	vld [tilespmem:s21+$0x0]  }
0x1b6: {  	v12 =	vmul.f32 v32, v12;
	v30 =	vpop (erf);
	(erf) = vpow2.f32 v31  }
0x1b7: {  	v62 =	vld [tilespmem:s11+$0xFFFFFFD0];
	[tilespmem:s11+$0xFFFFFFC0] =	vst v25;
	v31 =	vmul.f32 v24, v4;
	v24 =	vmul.f32 v32, v32  }
0x1b8: {  	v27 =	vmul.f32 v27, v5;
	v26 =	vmul.f32 v26, v10;
	v42 =	vld [tilespmem:s3+$0xFFFFFFD0];
	v29 =	vadd.f32 $1.000000000e+00, v30;
	v25 =	vpop (erf)  }
0x1b9: {  	v38 =	vmul.f32 $7.135481390e-02, v24;
	v28 =	vadd.f32 v43, v28;
	v30 =	vpop (erf);
	v24 =	vadd.f32 $1.000000000e+00, v25  }
0x1ba: {  	v33 =	vadd.f32 v41, v63;
	(erf) = vrcp.f32 v29;
	v22 =	vmul.f32 v22, v11;
	v25 =	vpop (erf)  }
0x1bb: {  	v29 =	vadd.f32 $1.000000000e+00, v30;
	v41 =	vmul.f32 v28, v28;
	v25 =	vmul.f32 v25, v18;
	v30 =	vpop (erf)  }
0x1bc: {  	v18 =	vmul.f32 v14, v9;
	(erf) = vrcp.f32 v24;
	v44 =	vpop (erf)  }
0x1bd: {  	v35 =	vmul.f32 v33, v33;
	v34 =	vadd.f32 v42, v62;
	[tilespmem:s13+$0xFFFFFF90] =	vst v25;
	v25 =	vadd.f32 $1.000000000e+00, v44  }
0x1be: {  	v39 =	vld [tilespmem:s13+$0xFFFFFFA0];
	v24 =	vmul.f32 v33, v8;
	(erf) = vrcp.f32 v29  }
0x1bf: {  	v30 =	vmul.f32 v30, v20;
	v29 =	vld [tilespmem:s17+$0xFFFFFFA0];
	v45 =	vmul.f32 v34, v34  }
0x1c0: {  	v38 =	vsub.f32 $-1.595769170e+00, v38;
	v20 =	vmul.f32 v28, v1;
	v46 =	vpop (erf);
	v35 =	vmul.f32 $7.135481390e-02, v35  }
0x1c1: {  	v40 =	vld [tilespmem:s13+$0x50];
	[tilespmem:s13+$0x40] =	vst v30;
	(erf) = vrcp.f32 v25;
	v36 =	vmul.f32 $7.135481390e-02, v45;
	v25 =	vpop (erf)  }
0x1c2: {  	v32 =	vmul.f32 v38, v32;
	v48 =	vmul.f32 $7.135481390e-02, v41;
	v42 =	vld [tilespmem:s17+$0x50];
	v30 =	vadd.f32 $1.000000000e+00, v25  }
0x1c3: {  	v37 =	vmul.f32 v46, v21;
	v35 =	vsub.f32 $-1.595769170e+00, v35;
	v36 =	vsub.f32 $-1.595769170e+00, v36  }
0x1c4: {  	v25 =	vmul.f32 v34, v3;
	v21 =	vpop (erf);
	v29 =	vadd.f32 v29, v39;
	(erf) = vrcp.f32 v30  }
0x1c5: {  	v21 =	vmul.f32 v21, v22;
	v34 =	vmul.f32 v36, v34  }
0x1c6: {  	v30 =	vmul.f32 v35, v33;
	v47 =	vpop (erf);
	v49 =	vmul.f32 v29, v29  }
0x1c7: {  	v51 =	vld [tilespmem:s10+$0xFFFFFFF0];
	v53 =	vadd.f32 v42, v40;
	v26 =	vmul.f32 v47, v26;
	v52 =	vpop (erf);
	v50 =	vmul.f32 $1.442695020e+00, v34  }
0x1c8: {  	v54 =	vld [tilespmem:s23+$0x10];
	v35 =	vsub.f32 $-1.595769170e+00, v48;
	[tilespmem:s23+$0x0] =	vst v21;
	v23 =	vmul.f32 v52, v23;
	v36 =	vmul.f32 $7.135481390e-02, v49  }
0x1c9: {  	v22 =	vld [tilespmem:s23+$0xFFFFFF90];
	[tilespmem:s23+$0xFFFFFF80] =	vst v26;
	v26 =	vmul.f32 $1.442695020e+00, v30;
	(erf) = vpow2.f32 v50  }
0x1ca: {  	v40 =	vmul.f32 v53, v53;
	v21 =	vmul.f32 v35, v28;
	v30 =	vpop (erf);
	v55 =	vld [tilespmem:s24+$0xFFFFFF90];
	[tilespmem:s10+$0xFFFFFFE0] =	vst v23  }
0x1cb: {  	v32 =	vmul.f32 $1.442695020e+00, v32;
	v23 =	vmul.f32 v30, v31;
	v30 =	vsub.f32 $-1.595769170e+00, v36;
	v28 =	vld [tilespmem:s5+$0xFFFFFFF0]  }
0x1cc: {  	v56 =	vmul.f32 $7.135481390e-02, v40;
	v21 =	vmul.f32 $1.442695020e+00, v21;
	v31 =	vld [tilespmem:s24+$0x10]  }
0x1cd: {  	(erf) = vpow2.f32 v26;
	v30 =	vmul.f32 v30, v29;
	v26 =	vpop (erf)  }
0x1ce: {  	v60 =	vld [tilespmem:s12+$0xFFFFFFC0];
	(erf) = vpow2.f32 v21;
	v27 =	vmul.f32 v26, v27  }
0x1cf: {  	v58 =	vld [tilespmem:s14+$0x40];
	[tilespmem:s14+$0x30] =	vst v23;
	v59 =	vmul.f32 $1.442695020e+00, v30;
	v26 =	vmul.f32 v29, v6;
	v29 =	vsub.f32 $-1.595769170e+00, v56  }
0x1d0: {  	v23 =	vmul.f32 v53, v2;
	v57 =	vld [tilespmem:s7+$0x40];
	v21 =	vadd.f32 v55, v22;
	v30 =	vadd.f32 v28, v51;
	[tilespmem:s12+$0xFFFFFFB0] =	vst v27  }
0x1d1: {  	(erf) = vpow2.f32 v59;
	v22 =	vmul.f32 v29, v53;
	v29 =	vadd.f32 v31, v54;
	v31 =	vld [tilespmem:s31+$0xFFFFFFC0]  }
0x1d2: {  	v61 =	vmul.f32 v21, v21;
	v28 =	vmul.f32 v30, v30;
	v27 =	vpop (erf)  }
0x1d3: {  	v13 =	vmul.f32 v30, v13;
	v38 =	vmul.f32 v29, v29;
	v62 =	vadd.f32 $1.000000000e+00, v27  }
0x1d4: {  	v33 =	vmul.f32 $1.442695020e+00, v22;
	v63 =	vmul.f32 $7.135481390e-02, v28  }
0x1d5: {  	s26 =	simm.s32 $0x15080;
	s21 =	simm.s32 $0x19080;
	v22 =	vmul.f32 $7.135481390e-02, v61;
	v27 =	vadd.f32 v57, v58;
	(erf) = vrcp.f32 v62  }
0x1d6: {  	[tilespmem:s10+$0x70] =	vst v37;
	s5 =	simm.s32 $0xC;
	v34 =	vpop (erf);
	v28 =	vmul.f32 $7.135481390e-02, v38;
	v35 =	vsub.f32 $-1.595769170e+00, v63;
	v31 =	vadd.f32 v31, v60  }
.LBB2_5:
0x1d7: {  	s5 =	sadd.s32 $0x2, s5;
	v34 =	vadd.f32 $1.000000000e+00, v34;
	v36 =	vmul.f32 v27, v27;
	(erf) = vpow2.f32 v33  }
0x1d8: {  	v33 =	vld [tilespmem:s21+$0x0];
	p0 =	slt.u32 s5, $0x7E;
	v28 =	vsub.f32 $-1.595769170e+00, v28;
	v37 =	vmul.f32 v31, v31;
	v38 =	vpop (erf);
	v35 =	vmul.f32 v35, v30  }
0x1d9: {  	v30 =	vmul.f32 v31, v5;
	v39 =	vld [tilespmem:s26+$0x0];
	(erf) = vrcp.f32 v34;
	v34 =	vadd.f32 $1.000000000e+00, v38  }
0x1da: {  	v38 =	vld [tilespmem:s26+$0xFFFFFF80];
	v40 =	vpop (erf);
	v37 =	vmul.f32 $7.135481390e-02, v37;
	v35 =	vmul.f32 $1.442695020e+00, v35  }
0x1db: {  	v36 =	vmul.f32 $7.135481390e-02, v36;
	v42 =	vmul.f32 v28, v29;
	v41 =	vld [tilespmem:s21+$0xFFFFFF80];
	v40 =	vadd.f32 $1.000000000e+00, v40  }
0x1dc: {  	v28 =	vmul.f32 v29, v11;
	v29 =	vsub.f32 $-1.595769170e+00, v37;
	(erf) = vpow2.f32 v35  }
0x1dd: {  	v36 =	vsub.f32 $-1.595769170e+00, v36;
	v37 =	vmul.f32 $1.442695020e+00, v42;
	(erf) = vrcp.f32 v40  }
0x1de: {  	v29 =	vmul.f32 v29, v31;
	(erf) = vrcp.f32 v34;
	v31 =	vpop (erf)  }
0x1df: {  	(erf) = vpow2.f32 v37;
	v34 =	vmul.f32 v31, v25  }
0x1e0: {  	v25 =	vadd.f32 v39, v33;
	v33 =	vmul.f32 v36, v27;
	v35 =	vpop (erf);
	v29 =	vmul.f32 $1.442695020e+00, v29  }
0x1e1: {  	v31 =	vadd.f32 v38, v41;
	v35 =	vadd.f32 $1.000000000e+00, v35;
	[tilespmem:s11+$0xFFFFFFD0] =	vst v34;
	v34 =	vld [tilespmem:s11+$0xFFFFFFE0];
	(erf) = vpow2.f32 v32  }
0x1e2: {  	v37 =	vsub.f32 $-1.595769170e+00, v17;
	v32 =	vmul.f32 v25, v25;
	v36 =	vpop (erf);
	(erf) = vpow2.f32 v29;
	v38 =	vld [tilespmem:s3+$0xFFFFFFE0]  }
0x1e3: {  	v17 =	vmovc v15;
	v15 =	vmov v22;
	v33 =	vmul.f32 $1.442695020e+00, v33;
	v39 =	vmul.f32 v36, v24  }
0x1e4: {  	v37 =	vmul.f32 v37, v16;
	v16 =	vmovc v14;
	v14 =	vmov v21;
	v22 =	vmul.f32 $7.135481390e-02, v32  }
0x1e5: {  	v29 =	vmul.f32 v27, v4;
	[tilespmem:s18+$0x20] =	vst v39;
	v21 =	vld [tilespmem:s18+$0x30];
	(erf) = vpow2.f32 v33;
	v24 =	vpop (erf)  }
0x1e6: {  	v27 =	vmul.f32 v31, v31;
	v33 =	vld [tilespmem:s2+$0x30];
	v36 =	vpop (erf);
	(erf) = vrcp.f32 v35;
	v24 =	vadd.f32 $1.000000000e+00, v24  }
0x1e7: {  	v35 =	vsub.f32 $-1.595769170e+00, v22;
	v22 =	vmul.f32 $1.442695020e+00, v37;
	v26 =	vmul.f32 v36, v26;
	v32 =	vpop (erf)  }
0x1e8: {  	v27 =	vmul.f32 $7.135481390e-02, v27;
	v34 =	vadd.f32 v38, v34;
	v36 =	vpop (erf);
	(erf) = vrcp.f32 v24  }
0x1e9: {  	v38 =	vmul.f32 v32, v20;
	v24 =	vadd.f32 $1.000000000e+00, v36;
	(erf) = vpow2.f32 v22;
	[tilespmem:s13+$0xFFFFFFA0] =	vst v26;
	v26 =	vld [tilespmem:s13+$0xFFFFFFB0]  }
0x1ea: {  	v27 =	vsub.f32 $-1.595769170e+00, v27;
	v36 =	vmul.f32 v34, v34;
	v22 =	vmul.f32 v34, v3;
	v32 =	vld [tilespmem:s17+$0xFFFFFFB0];
	v37 =	vpop (erf)  }
0x1eb: {  	v35 =	vmul.f32 v35, v25;
	(erf) = vrcp.f32 v24;
	v24 =	vadd.f32 v33, v21;
	[tilespmem:s12+$0x60] =	vst v38;
	v20 =	vpop (erf)  }
0x1ec: {  	v21 =	vmul.f32 v27, v31;
	v36 =	vmul.f32 $7.135481390e-02, v36;
	v20 =	vadd.f32 $1.000000000e+00, v20;
	v33 =	vld [tilespmem:s31+$0x70]  }
0x1ed: {  	v35 =	vmul.f32 $1.442695020e+00, v35;
	v37 =	vadd.f32 $1.000000000e+00, v37;
	v38 =	vmul.f32 v24, v24;
	v39 =	vld [tilespmem:s12+$0x70]  }
0x1ee: {  	v27 =	vmul.f32 v24, v8;
	v40 =	vpop (erf);
	(erf) = vrcp.f32 v20;
	v20 =	vsub.f32 $-1.595769170e+00, v36  }
0x1ef: {  	(erf) = vpow2.f32 v35;
	v35 =	vmul.f32 $7.135481390e-02, v38;
	v26 =	vadd.f32 v32, v26;
	v32 =	vpop (erf)  }
0x1f0: {  	v41 =	vmul.f32 $1.442695020e+00, v21;
	v38 =	vadd.f32 $1.000000000e+00, v40;
	v20 =	vmul.f32 v20, v34  }
0x1f1: {  	v34 =	vsub.f32 $-1.595769170e+00, v35;
	v35 =	vmul.f32 v26, v26;
	v21 =	vmul.f32 v26, v6;
	v40 =	vpop (erf)  }
0x1f2: {  	s6 =	sadd.s32 $0x80, s6;
	(erf) = vpow2.f32 v41;
	v36 =	vpop (erf);
	v33 =	vadd.f32 v33, v39;
	v20 =	vmul.f32 $1.442695020e+00, v20  }
0x1f3: {  	s8 =	sadd.s32 $0x20, s8;
	s22 =	sand.u32 $0x1E00, s6;
	v13 =	vmul.f32 v40, v13;
	v36 =	vadd.f32 $1.000000000e+00, v36;
	v35 =	vmul.f32 $7.135481390e-02, v35  }
0x1f4: {  	s15 =	sadd.s32 $0x10, s8;
	s22 =	sshrl.u32 s22, $0x2;
	v24 =	vmul.f32 v34, v24;
	v39 =	vpop (erf);
	v34 =	vld [tilespmem:s12+$0xFFFFFFD0];
	(erf) = vpow2.f32 v20  }
0x1f5: {  	s16 =	sand.u32 $0x60, s8;
	s15 =	sand.u32 $0x70, s15;
	s22 =	sadd.s32 $0x14100, s22;
	v20 =	vmul.f32 v39, v28;
	(erf) = vrcp.f32 v36;
	v35 =	vsub.f32 $-1.595769170e+00, v35;
	v36 =	vld [tilespmem:s13+$0x60];
	[tilespmem:s10+$0xFFFFFFF0] =	vst v13  }
0x1f6: {  	s16 =	sor.u32 s16, s22;
	s15 =	sor.u32 s15, s22;
	v24 =	vmul.f32 $1.442695020e+00, v24;
	s10 =	smov.u32 s11;
	v13 =	vld [tilespmem:s23+$0x20];
	(erf) = vrcp.f32 v38  }
0x1f7: {  	v23 =	vmul.f32 v32, v23;
	s11 =	smov.u32 s12;
	s12 =	smov.u32 s13;
	s13 =	smov.u32 s14;
	v28 =	vld [tilespmem:s16+$0x0];
	[tilespmem:s23+$0x10] =	vst v20;
	v20 =	vmul.f32 v35, v26;
	v26 =	vpop (erf)  }
0x1f8: {  	s14 =	smov.u32 s18;
	s18 =	smov.u32 s23;
	s23 =	smov.u32 s21;
	v32 =	vpop (erf);
	v35 =	vld [tilespmem:s24+$0x20];
	(erf) = vpow2.f32 v24;
	v24 =	vmul.f32 v26, v30  }
0x1f9: {  	v26 =	vld [tilespmem:s15+$0x0];
	v20 =	vmul.f32 $1.442695020e+00, v20;
	[tilespmem:s12+$0x50] =	vst v23;
	v23 =	vmul.f32 v33, v33  }
0x1fa: {  	v38 =	vmul.f32 v33, v1;
	v1 =	vmovc v2;
	v2 =	vmovc v4;
	v4 =	vmov v8;
	v30 =	vld [tilespmem:s17+$0x60];
	[tilespmem:s11+$0xFFFFFFC0] =	vst v24;
	(erf) = vrcp.f32 v37  }
0x1fb: {  	v39 =	vadd.f32 $1.000000000e+00, v32;
	v8 =	vpop (erf);
	(erf) = vpow2.f32 v20;
	v20 =	vld [tilespmem:s31+$0xFFFFFFD0];
	v23 =	vmul.f32 $7.135481390e-02, v23  }
0x1fc: {  	v37 =	vmul.f32 v14, v10;
	v31 =	vmul.f32 v31, v28;
	v40 =	vadd.f32 $1.000000000e+00, v8;
	v8 =	vmovc v11  }
0x1fd: {  	v13 =	vadd.f32 v35, v13;
	v23 =	vsub.f32 $-1.595769170e+00, v23;
	v11 =	vpop (erf)  }
0x1fe: {  	v35 =	vmul.f32 v25, v26;
	(erf) = vrcp.f32 v39;
	v24 =	vpop (erf);
	v25 =	vadd.f32 $1.000000000e+00, v11  }
0x1ff: {  	(erf) = vrcp.f32 v40;
	v40 =	vmul.f32 v24, v19;
	v32 =	vpop (erf);
	v30 =	vadd.f32 v30, v36  }
0x200: {  	v11 =	vmovc v26;
	v36 =	vmul.f32 v13, v13;
	v24 =	vmul.f32 v13, v8;
	v34 =	vadd.f32 v20, v34  }
0x201: {  	v19 =	vmov v18;
	v26 =	vpop (erf);
	[tilespmem:s13+$0xFFFFFF90] =	vst v40;
	v39 =	vld [tilespmem:s13+$0xFFFFFFA0];
	v20 =	vmul.f32 v30, v1;
	(erf) = vrcp.f32 v25  }
0x202: {  	v18 =	vmovc v37;
	v42 =	vadd.f32 $1.000000000e+00, v26;
	v40 =	vld [tilespmem:s7+$0xFFFFFFA0];
	v41 =	vmul.f32 v34, v34;
	v25 =	vmul.f32 v34, v5  }
0x203: {  	v29 =	vmul.f32 v32, v29;
	v36 =	vmul.f32 $7.135481390e-02, v36;
	v32 =	vpop (erf)  }
0x204: {  	(erf) = vrcp.f32 v42;
	v26 =	vpop (erf);
	v37 =	vmul.f32 $7.135481390e-02, v41  }
0x205: {  	v36 =	vsub.f32 $-1.595769170e+00, v36;
	v41 =	vmul.f32 v30, v30;
	[tilespmem:s13+$0x40] =	vst v29;
	v29 =	vld [tilespmem:s13+$0x50];
	v26 =	vadd.f32 $1.000000000e+00, v26  }
0x206: {  	v33 =	vmul.f32 v23, v33;
	v23 =	vmul.f32 v32, v12;
	v12 =	vmovc v38;
	v42 =	vld [tilespmem:s7+$0x50];
	v37 =	vsub.f32 $-1.595769170e+00, v37  }
0x207: {  	v13 =	vmul.f32 v36, v13;
	v32 =	vpop (erf);
	v36 =	vadd.f32 v40, v39;
	(erf) = vrcp.f32 v26  }
0x208: {  	v40 =	vmul.f32 $7.135481390e-02, v41;
	v38 =	vpop (erf);
	v34 =	vmul.f32 v37, v34;
	[tilespmem:s10+$0x70] =	vst v23  }
0x209: {  	v23 =	vmul.f32 v36, v36;
	v26 =	vmul.f32 v36, v7  }
0x20a: {  	v31 =	vmul.f32 v38, v31;
	v37 =	vsub.f32 $-1.595769170e+00, v40;
	v34 =	vmul.f32 $1.442695020e+00, v34;
	v38 =	vld [tilespmem:s10+$0xFFFFFFF0];
	v39 =	vpop (erf)  }
0x20b: {  	v32 =	vmul.f32 v32, v35;
	v40 =	vld [tilespmem:s21+$0xFFFFFF90];
	v29 =	vadd.f32 v42, v29;
	v22 =	vmul.f32 v39, v22  }
0x20c: {  	v23 =	vmul.f32 $7.135481390e-02, v23;
	[tilespmem:s21+$0xFFFFFF80] =	vst v31;
	v31 =	vld [tilespmem:s21+$0x10];
	(erf) = vpow2.f32 v34  }
0x20d: {  	v13 =	vmul.f32 $1.442695020e+00, v13;
	v34 =	vld [tilespmem:s26+$0xFFFFFF90];
	v35 =	vpop (erf);
	v39 =	vmul.f32 v29, v29;
	[tilespmem:s10+$0xFFFFFFE0] =	vst v22  }
0x20e: {  	v23 =	vsub.f32 $-1.595769170e+00, v23;
	[tilespmem:s21+$0x0] =	vst v32;
	v22 =	vmul.f32 v35, v27;
	v27 =	vmul.f32 v37, v30;
	v30 =	vld [tilespmem:s3+$0xFFFFFFF0];
	s3 =	smov.u32 s31;
	s31 =	smov.u32 s17;
	s17 =	smov.u32 s7  }
0x20f: {  	s7 =	smov.u32 s2;
	s2 =	smov.u32 s24;
	s24 =	smov.u32 s26;
	v32 =	vld [tilespmem:s26+$0x10];
	(erf) = vpow2.f32 v13;
	v13 =	vmul.f32 $7.135481390e-02, v39  }
0x210: {  	[tilespmem:s14+$0x30] =	vst v22;
	v22 =	vmul.f32 v23, v36;
	v27 =	vmul.f32 $1.442695020e+00, v27;
	v35 =	vpop (erf)  }
0x211: {  	v23 =	vmul.f32 v29, v2;
	v36 =	vld [tilespmem:s7+$0x40];
	v13 =	vsub.f32 $-1.595769170e+00, v13;
	v35 =	vmul.f32 v35, v21  }
0x212: {  	v37 =	vld [tilespmem:s14+$0x40];
	v39 =	vmul.f32 $1.442695020e+00, v22;
	(erf) = vpow2.f32 v27  }
0x213: {  	v21 =	vadd.f32 v34, v40;
	v34 =	vmul.f32 v13, v29;
	[tilespmem:s12+$0xFFFFFFB0] =	vst v35;
	v35 =	vld [tilespmem:s12+$0xFFFFFFC0];
	v30 =	vadd.f32 v30, v38  }
0x214: {  	v29 =	vadd.f32 v32, v31;
	(erf) = vpow2.f32 v39;
	v31 =	vld [tilespmem:s31+$0xFFFFFFC0];
	v32 =	vmul.f32 $1.442695020e+00, v33  }
.Ltmp1:
0x215: {  	v22 =	vpop (erf);
	v38 =	vmul.f32 v30, v30;
	v13 =	vmul.f32 v30, v3;
	v3 =	vmov v5;
	(pc) =	sbr.rel @p0 .LBB2_5-.Ltmp1, $4  }
0x216: {  	v39 =	vmul.f32 v21, v21;
	v5 =	vmovc v6;
	v6 =	vmovc v7;
	v40 =	vmul.f32 v29, v29;
	v41 =	vadd.f32 $1.000000000e+00, v22  }
0x217: {  	v33 =	vmul.f32 $1.442695020e+00, v34;
	v7 =	vmovc v9;
	v9 =	vmovc v10;
	v27 =	vadd.f32 v36, v37;
	v36 =	vmul.f32 $7.135481390e-02, v38  }
0x218: {  	v10 =	vmov v28;
	v22 =	vmul.f32 $7.135481390e-02, v39;
	v34 =	vpop (erf);
	(erf) = vrcp.f32 v41  }
0x219: {  	s21 =	sadd.s32 $0x100, s21;
	s26 =	sadd.s32 $0x100, s26;
	v28 =	vmul.f32 $7.135481390e-02, v40;
	v31 =	vadd.f32 v31, v35;
	v35 =	vsub.f32 $-1.595769170e+00, v36  }
0x21a: {  	_ = 	snop  }
0x21b: {  	v34 =	vadd.f32 $1.000000000e+00, v34;
	v30 =	vmul.f32 v35, v30  }
0x21c: {  	(erf) = vpow2.f32 v33;
	v60 =	vmul.f32 v31, v31;
	v61 =	vpop (erf)  }
0x21d: {  	(erf) = vrcp.f32 v34;
	v62 =	vpop (erf);
	v30 =	vmul.f32 $1.442695020e+00, v30  }
0x21e: {  	v28 =	vsub.f32 $-1.595769170e+00, v28;
	v33 =	vmul.f32 $7.135481390e-02, v60;
	v34 =	vadd.f32 $1.000000000e+00, v62  }
0x21f: {  	v63 =	vmul.f32 v27, v27;
	(erf) = vpow2.f32 v30  }
0x220: {  	v28 =	vmul.f32 v28, v29;
	v33 =	vsub.f32 $-1.595769170e+00, v33;
	(erf) = vrcp.f32 v34  }
0x221: {  	v36 =	vadd.f32 $1.000000000e+00, v61;
	v30 =	vmul.f32 $7.135481390e-02, v63  }
0x222: {  	v28 =	vmul.f32 $1.442695020e+00, v28;
	v33 =	vmul.f32 v33, v31;
	v37 =	vpop (erf)  }
0x223: {  	v30 =	vsub.f32 $-1.595769170e+00, v30;
	(erf) = vrcp.f32 v36;
	v25 =	vmul.f32 v37, v25  }
0x224: {  	(erf) = vpow2.f32 v28;
	v33 =	vmul.f32 $1.442695020e+00, v33  }
0x225: {  	v38 =	vpop (erf);
	v30 =	vmul.f32 v30, v27;
	(erf) = vpow2.f32 v32  }
0x226: {  	v40 =	vld [tilespmem:s11+$0xFFFFFFE0];
	[tilespmem:s11+$0xFFFFFFD0] =	vst v25;
	v39 =	vpop (erf);
	(erf) = vpow2.f32 v33  }
0x227: {  	v17 =	vsub.f32 $-1.595769170e+00, v17;
	v41 =	vld [tilespmem:s3+$0xFFFFFFE0];
	v30 =	vmul.f32 $1.442695020e+00, v30;
	v24 =	vmul.f32 v39, v24  }
0x228: {  	v28 =	vadd.f32 $1.000000000e+00, v38;
	v42 =	vpop (erf)  }
0x229: {  	v44 =	vld [tilespmem:s18+$0x30];
	v16 =	vmul.f32 v17, v16;
	(erf) = vpow2.f32 v30;
	[tilespmem:s18+$0x20] =	vst v24;
	v43 =	vpop (erf)  }
0x22a: {  	v45 =	vld [tilespmem:s2+$0x30];
	v46 =	vadd.f32 $1.000000000e+00, v42;
	v24 =	vmul.f32 v43, v26  }
0x22b: {  	v16 =	vmul.f32 $1.442695020e+00, v16;
	(erf) = vrcp.f32 v28  }
0x22c: {  	v47 =	vld [tilespmem:s13+$0xFFFFFFB0];
	v28 =	vpop (erf);
	(erf) = vrcp.f32 v46;
	[tilespmem:s13+$0xFFFFFFA0] =	vst v24;
	v24 =	vadd.f32 v41, v40  }
0x22d: {  	v49 =	vpop (erf);
	(erf) = vpow2.f32 v16;
	v48 =	vld [tilespmem:s17+$0xFFFFFFB0]  }
0x22e: {  	v51 =	vpop (erf);
	v50 =	vmul.f32 v24, v24  }
0x22f: {  	v52 =	vadd.f32 $1.000000000e+00, v49;
	v26 =	vadd.f32 v45, v44;
	v53 =	vpop (erf)  }
0x230: {  	v30 =	vadd.f32 $1.000000000e+00, v53;
	v32 =	vmul.f32 $7.135481390e-02, v50  }
0x231: {  	(erf) = vrcp.f32 v52;
	v54 =	vmul.f32 v26, v26  }
0x232: {  	v56 =	vpop (erf);
	(erf) = vrcp.f32 v30;
	v55 =	vsub.f32 $-1.595769170e+00, v32;
	v25 =	vadd.f32 v48, v47  }
0x233: {  	v57 =	vmul.f32 $7.135481390e-02, v54  }
0x234: {  	v58 =	vpop (erf);
	v17 =	vmul.f32 v55, v24;
	v59 =	vmul.f32 v25, v25  }
0x235: {  	v16 =	vpop (erf);
	v30 =	vsub.f32 $-1.595769170e+00, v57  }
0x236: {  	v36 =	vpop (erf);
	v17 =	vmul.f32 $1.442695020e+00, v17;
	v35 =	vmul.f32 $7.135481390e-02, v59  }
0x237: {  	v61 =	vmul.f32 v31, v5;
	v36 =	vadd.f32 $1.000000000e+00, v36;
	v30 =	vmul.f32 v30, v26  }
0x238: {  	v32 =	vadd.f32 $1.000000000e+00, v56;
	(erf) = vpow2.f32 v17;
	v60 =	vsub.f32 $-1.595769170e+00, v35  }
0x239: {  	v30 =	vmul.f32 $1.442695020e+00, v30;
	(erf) = vrcp.f32 v36  }
0x23a: {  	v62 =	vpop (erf);
	v17 =	vmul.f32 v60, v25;
	(erf) = vrcp.f32 v32  }
0x23b: {  	v33 =	vadd.f32 $1.000000000e+00, v51;
	v63 =	vpop (erf);
	(erf) = vpow2.f32 v30  }
0x23c: {  	v36 =	vmul.f32 v63, v61;
	v17 =	vmul.f32 $1.442695020e+00, v17  }
0x23d: {  	(erf) = vrcp.f32 v33  }
0x23e: {  	v38 =	vld [tilespmem:s12+$0xFFFFFFD0];
	[tilespmem:s12+$0xFFFFFFC0] =	vst v36;
	(erf) = vpow2.f32 v17  }
0x23f: {  	v37 =	vmul.f32 v29, v11;
	v40 =	vld [tilespmem:s31+$0xFFFFFFD0];
	_ =	sdelay $0x1  }
0x240: {  	v39 =	vmul.f32 v62, v37  }
0x241: {  	v46 =	vld [tilespmem:s13+$0x60];
	v42 =	vpop (erf)  }
0x242: {  	v41 =	vld [tilespmem:s23+$0x20];
	v23 =	vmul.f32 v58, v23;
	[tilespmem:s23+$0x10] =	vst v39;
	v43 =	vadd.f32 $1.000000000e+00, v42;
	v45 =	vpop (erf)  }
0x243: {  	v44 =	vld [tilespmem:s24+$0x20];
	v19 =	vmul.f32 v45, v19;
	v47 =	vpop (erf);
	v29 =	vadd.f32 v40, v38  }
0x244: {  	v50 =	vld [tilespmem:s14+$0xFFFFFFA0];
	[tilespmem:s13+$0x50] =	vst v23;
	(erf) = vrcp.f32 v43;
	v48 =	vpop (erf)  }
0x245: {  	v49 =	vld [tilespmem:s17+$0x60];
	[tilespmem:s14+$0xFFFFFF90] =	vst v19;
	v17 =	vpop (erf);
	v51 =	vmul.f32 v29, v29  }
0x246: {  	v23 =	vadd.f32 $1.000000000e+00, v48;
	v54 =	vld [tilespmem:s7+$0xFFFFFFA0];
	v52 =	vpop (erf)  }
0x247: {  	v53 =	vmul.f32 v27, v4;
	v55 =	vmul.f32 $7.135481390e-02, v51;
	v36 =	vadd.f32 $1.000000000e+00, v52  }
0x248: {  	v30 =	vadd.f32 v44, v41;
	(erf) = vrcp.f32 v23  }
0x249: {  	v27 =	vmul.f32 v47, v53;
	v57 =	vsub.f32 $-1.595769170e+00, v55;
	(erf) = vrcp.f32 v36  }
0x24a: {  	v20 =	vmul.f32 v28, v20;
	v56 =	vmul.f32 v30, v30;
	v23 =	vadd.f32 v49, v46  }
0x24b: {  	v24 =	vmul.f32 v24, v3;
	[tilespmem:s14+$0x40] =	vst v27;
	v27 =	vadd.f32 v54, v50;
	v59 =	vmul.f32 v57, v29  }
0x24c: {  	[tilespmem:s12+$0x60] =	vst v20;
	v61 =	vld [tilespmem:s14+$0x50];
	v58 =	vmul.f32 $7.135481390e-02, v56;
	v62 =	vmul.f32 v23, v23  }
0x24d: {  	v44 =	vld [tilespmem:s31+$0x70];
	v60 =	vpop (erf);
	v63 =	vmul.f32 v27, v27;
	v19 =	vmul.f32 $1.442695020e+00, v59  }
0x24e: {  	v40 =	vld [tilespmem:s11+$0xFFFFFFF0];
	v31 =	vsub.f32 $-1.595769170e+00, v58;
	v33 =	vmul.f32 $7.135481390e-02, v62;
	v24 =	vmul.f32 v60, v24  }
0x24f: {  	v41 =	vld [tilespmem:s7+$0x50];
	v43 =	vmul.f32 $7.135481390e-02, v63;
	(erf) = vpow2.f32 v19  }
0x250: {  	v48 =	vld [tilespmem:s12+$0x70];
	v31 =	vmul.f32 v31, v30;
	v46 =	vsub.f32 $-1.595769170e+00, v33;
	[tilespmem:s11+$0xFFFFFFE0] =	vst v24  }
0x251: {  	v45 =	vmul.f32 v25, v6;
	v47 =	vpop (erf);
	v42 =	vld [tilespmem:s3+$0xFFFFFFF0];
	v20 =	vsub.f32 $-1.595769170e+00, v43  }
0x252: {  	v31 =	vmul.f32 $1.442695020e+00, v31;
	v25 =	vmul.f32 v46, v23;
	v37 =	vpop (erf)  }
0x253: {  	v20 =	vmul.f32 v20, v27;
	v37 =	vmul.f32 v37, v45  }
0x254: {  	v26 =	vmul.f32 v26, v8;
	v24 =	vadd.f32 v41, v61;
	v25 =	vmul.f32 $1.442695020e+00, v25  }
0x255: {  	v51 =	vld [tilespmem:s13+$0xFFFFFFC0];
	v19 =	vadd.f32 v44, v48;
	(erf) = vpow2.f32 v31;
	v50 =	vmul.f32 $1.442695020e+00, v20;
	[tilespmem:s13+$0xFFFFFFB0] =	vst v37  }
0x256: {  	v49 =	vmul.f32 v24, v24;
	(erf) = vpow2.f32 v25;
	v20 =	vadd.f32 v42, v40;
	v52 =	vld [tilespmem:s17+$0xFFFFFFC0]  }
0x257: {  	v53 =	vmul.f32 v19, v19;
	(erf) = vpow2.f32 v50  }
0x258: {  	v31 =	vmul.f32 $7.135481390e-02, v49;
	v54 =	vpop (erf);
	v34 =	vmul.f32 v20, v20  }
0x259: {  	v32 =	vmul.f32 $7.135481390e-02, v53;
	v56 =	vadd.f32 $1.000000000e+00, v54  }
0x25a: {  	v26 =	vmul.f32 v47, v26;
	v55 =	vsub.f32 $-1.595769170e+00, v31;
	v57 =	vmul.f32 $7.135481390e-02, v34  }
0x25b: {  	v59 =	vsub.f32 $-1.595769170e+00, v32;
	(erf) = vrcp.f32 v56;
	v25 =	vadd.f32 v52, v51  }
0x25c: {  	v29 =	vmul.f32 v29, v5;
	v62 =	vld [tilespmem:s18+$0x40];
	[tilespmem:s18+$0x30] =	vst v26;
	v58 =	vmul.f32 v55, v24;
	v61 =	vsub.f32 $-1.595769170e+00, v57  }
0x25d: {  	v60 =	vld [tilespmem:s2+$0x40];
	v28 =	vmul.f32 v59, v19;
	v35 =	vmul.f32 v25, v25  }
0x25e: {  	v63 =	vpop (erf);
	v26 =	vmul.f32 $1.442695020e+00, v58;
	v32 =	vmul.f32 v61, v20  }
0x25f: {  	v28 =	vmul.f32 $1.442695020e+00, v28;
	v34 =	vadd.f32 $1.000000000e+00, v63;
	v36 =	vpop (erf);
	v35 =	vmul.f32 $7.135481390e-02, v35  }
0x260: {  	(erf) = vpow2.f32 v26;
	v37 =	vpop (erf);
	v32 =	vmul.f32 $1.442695020e+00, v32  }
0x261: {  	(erf) = vrcp.f32 v34;
	v34 =	vadd.f32 $1.000000000e+00, v37;
	v35 =	vsub.f32 $-1.595769170e+00, v35  }
0x262: {  	v31 =	vadd.f32 v60, v62;
	v26 =	vadd.f32 $1.000000000e+00, v36;
	(erf) = vpow2.f32 v32  }
0x263: {  	(erf) = vrcp.f32 v34;
	v38 =	vmul.f32 v35, v25  }
0x264: {  	v33 =	vmul.f32 v31, v31;
	(erf) = vrcp.f32 v26;
	v39 =	vpop (erf)  }
0x265: {  	v26 =	vmul.f32 v39, v29;
	v40 =	vmul.f32 $1.442695020e+00, v38  }
0x266: {  	(erf) = vpow2.f32 v28  }
0x267: {  	v45 =	vld [tilespmem:s12+$0xFFFFFFE0];
	v41 =	vmul.f32 $7.135481390e-02, v33;
	[tilespmem:s12+$0xFFFFFFD0] =	vst v26;
	(erf) = vpow2.f32 v40  }
0x268: {  	v47 =	vld [tilespmem:s31+$0xFFFFFFE0]  }
0x269: {  	v42 =	vmul.f32 v30, v11;
	v43 =	vsub.f32 $-1.595769170e+00, v41;
	v44 =	vpop (erf)  }
0x26a: {  	v46 =	vpop (erf)  }
0x26b: {  	v28 =	vmul.f32 v43, v31;
	v26 =	vmul.f32 v46, v42  }
0x26c: {  	v15 =	vsub.f32 $-1.595769170e+00, v15;
	v27 =	vmul.f32 v27, v7;
	v48 =	vpop (erf)  }
0x26d: {  	v50 =	vld [tilespmem:s23+$0x30];
	v28 =	vmul.f32 $1.442695020e+00, v28;
	[tilespmem:s23+$0x20] =	vst v26;
	v49 =	vpop (erf);
	v30 =	vadd.f32 v47, v45  }
0x26e: {  	v14 =	vmul.f32 v15, v14;
	v29 =	vadd.f32 $1.000000000e+00, v44;
	v51 =	vld [tilespmem:s24+$0x30];
	v26 =	vmul.f32 v49, v27;
	v32 =	vpop (erf)  }
0x26f: {  	(erf) = vpow2.f32 v28;
	v52 =	vadd.f32 $1.000000000e+00, v48;
	v53 =	vpop (erf);
	v55 =	vmul.f32 v30, v30  }
0x270: {  	v14 =	vmul.f32 $1.442695020e+00, v14;
	v54 =	vld [tilespmem:s14+$0xFFFFFFB0];
	(erf) = vrcp.f32 v29;
	[tilespmem:s14+$0xFFFFFFA0] =	vst v26;
	v56 =	vpop (erf)  }
0x271: {  	(erf) = vrcp.f32 v52;
	v57 =	vld [tilespmem:s7+$0xFFFFFFB0];
	v29 =	vmul.f32 $7.135481390e-02, v55;
	v33 =	vadd.f32 $1.000000000e+00, v56  }
0x272: {  	(erf) = vpow2.f32 v14  }
0x273: {  	v27 =	vadd.f32 v51, v50;
	v58 =	vsub.f32 $-1.595769170e+00, v29;
	(erf) = vrcp.f32 v33;
	_ =	sdelay $0x1  }
0x274: {  	v59 =	vmul.f32 v27, v27;
	v60 =	vmul.f32 v58, v30  }
0x275: {  	v28 =	vadd.f32 v57, v54  }
0x276: {  	v29 =	vmul.f32 $7.135481390e-02, v59;
	v40 =	vmul.f32 $1.442695020e+00, v60  }
0x277: {  	v61 =	vpop (erf);
	v63 =	vmul.f32 v28, v28  }
0x278: {  	v62 =	vpop (erf);
	v29 =	vsub.f32 $-1.595769170e+00, v29;
	(erf) = vpow2.f32 v40  }
0x279: {  	v14 =	vpop (erf);
	v34 =	vmul.f32 $7.135481390e-02, v63  }
0x27a: {  	v25 =	vmul.f32 v25, v6;
	v29 =	vmul.f32 v29, v27;
	v41 =	vpop (erf)  }
0x27b: {  	v42 =	vadd.f32 $1.000000000e+00, v41;
	v34 =	vsub.f32 $-1.595769170e+00, v34;
	v43 =	vpop (erf)  }
0x27c: {  	v15 =	vadd.f32 $1.000000000e+00, v61;
	v29 =	vmul.f32 $1.442695020e+00, v29;
	v25 =	vmul.f32 v43, v25  }
0x27d: {  	(erf) = vrcp.f32 v42;
	v34 =	vmul.f32 v34, v28  }
0x27e: {  	v44 =	vld [tilespmem:s13+$0xFFFFFFD0];
	v26 =	vadd.f32 $1.000000000e+00, v53;
	(erf) = vrcp.f32 v15;
	[tilespmem:s13+$0xFFFFFFC0] =	vst v25  }
0x27f: {  	(erf) = vpow2.f32 v29;
	v45 =	vmul.f32 $1.442695020e+00, v34;
	v25 =	vld [tilespmem:s17+$0xFFFFFFD0]  }
0x280: {  	(erf) = vrcp.f32 v26  }
0x281: {  	(erf) = vpow2.f32 v45;
	v46 =	vpop (erf)  }
0x282: {  	v15 =	vadd.f32 $1.000000000e+00, v46;
	_ =	sdelay $0x1  }
0x283: {  	v24 =	vmul.f32 v24, v4;
	(erf) = vrcp.f32 v15;
	v26 =	vadd.f32 v25, v44;
	_ =	sdelay $0x1  }
0x284: {  	v24 =	vmul.f32 v62, v24;
	v47 =	vpop (erf);
	v50 =	vmul.f32 v26, v26  }
0x285: {  	v48 =	vld [tilespmem:s14+$0x60];
	v49 =	vmul.f32 v47, v18;
	v51 =	vpop (erf)  }
0x286: {  	v54 =	vld [tilespmem:s18+$0xFFFFFFA0];
	[tilespmem:s14+$0x50] =	vst v24;
	v53 =	vpop (erf);
	v18 =	vmul.f32 $7.135481390e-02, v50  }
0x287: {  	v31 =	vmul.f32 v31, v8;
	v52 =	vld [tilespmem:s7+$0x60];
	[tilespmem:s18+$0xFFFFFF90] =	vst v49;
	v15 =	vpop (erf)  }
0x288: {  	v33 =	vadd.f32 $1.000000000e+00, v53;
	v55 =	vld [tilespmem:s2+$0xFFFFFFA0];
	v56 =	vpop (erf);
	v18 =	vsub.f32 $-1.595769170e+00, v18  }
0x289: {  	v30 =	vmul.f32 v30, v5;
	v24 =	vmul.f32 v51, v31;
	v57 =	vadd.f32 $1.000000000e+00, v56  }
0x28a: {  	(erf) = vrcp.f32 v33;
	v18 =	vmul.f32 v18, v26  }
0x28b: {  	v59 =	vld [tilespmem:s18+$0x50];
	[tilespmem:s18+$0x40] =	vst v24;
	(erf) = vrcp.f32 v57;
	v58 =	vpop (erf)  }
0x28c: {  	v25 =	vadd.f32 v52, v48;
	v62 =	vld [tilespmem:s2+$0x50];
	v24 =	vmul.f32 v58, v30;
	v18 =	vmul.f32 $1.442695020e+00, v18  }
0x28d: {  	v31 =	vadd.f32 v55, v54  }
0x28e: {  	v61 =	vld [tilespmem:s12+$0xFFFFFFF0];
	v60 =	vmul.f32 v25, v25;
	[tilespmem:s12+$0xFFFFFFE0] =	vst v24;
	(erf) = vpow2.f32 v18  }
0x28f: {  	v23 =	vmul.f32 v23, v2;
	v34 =	vmul.f32 v31, v31;
	v24 =	vld [tilespmem:s31+$0xFFFFFFF0]  }
0x290: {  	v30 =	vmul.f32 $7.135481390e-02, v60  }
0x291: {  	v23 =	vmul.f32 v32, v23;
	v29 =	vadd.f32 v62, v59;
	v34 =	vmul.f32 $7.135481390e-02, v34  }
0x292: {  	v27 =	vmul.f32 v27, v11;
	v30 =	vsub.f32 $-1.595769170e+00, v30  }
0x293: {  	[tilespmem:s13+$0x60] =	vst v23;
	v28 =	vmul.f32 v28, v7;
	v42 =	vmul.f32 v29, v29;
	v63 =	vpop (erf);
	v34 =	vsub.f32 $-1.595769170e+00, v34  }
0x294: {  	v39 =	vld [tilespmem:s17+$0x70];
	v36 =	vmul.f32 v63, v27;
	v37 =	vmul.f32 v30, v25;
	v38 =	vpop (erf);
	v18 =	vadd.f32 v24, v61  }
0x295: {  	v41 =	vld [tilespmem:s13+$0x70];
	v40 =	vmul.f32 v34, v31;
	v28 =	vmul.f32 v38, v28  }
0x296: {  	v47 =	vld [tilespmem:s14+$0xFFFFFFC0];
	v43 =	vmul.f32 $1.442695020e+00, v37;
	v46 =	vmul.f32 v18, v18  }
0x297: {  	v51 =	vld [tilespmem:s23+$0x40];
	v33 =	vmul.f32 $7.135481390e-02, v42;
	v32 =	vmul.f32 $1.442695020e+00, v40;
	[tilespmem:s14+$0xFFFFFFB0] =	vst v28;
	v45 =	vpop (erf)  }
0x298: {  	[tilespmem:s23+$0x30] =	vst v36;
	(erf) = vpow2.f32 v43;
	v49 =	vld [tilespmem:s7+$0xFFFFFFC0];
	v50 =	vmul.f32 $7.135481390e-02, v46;
	v48 =	vadd.f32 $1.000000000e+00, v45  }
0x299: {  	v33 =	vsub.f32 $-1.595769170e+00, v33;
	v44 =	vld [tilespmem:s24+$0x40];
	(erf) = vpow2.f32 v32  }
0x29a: {  	v23 =	vadd.f32 v39, v41;
	v52 =	vsub.f32 $-1.595769170e+00, v50;
	(erf) = vrcp.f32 v48  }
0x29b: {  	v53 =	vmul.f32 v33, v29  }
0x29c: {  	v54 =	vmul.f32 v23, v23;
	v24 =	vmul.f32 v52, v18  }
0x29d: {  	v30 =	vmul.f32 $1.442695020e+00, v53;
	v28 =	vadd.f32 v49, v47  }
0x29e: {  	v32 =	vmul.f32 $7.135481390e-02, v54;
	v27 =	vadd.f32 v44, v51;
	v24 =	vmul.f32 $1.442695020e+00, v24  }
0x29f: {  	(erf) = vpow2.f32 v30;
	v55 =	vmul.f32 v28, v28  }
0x2a0: {  	v56 =	vmul.f32 v27, v27;
	(erf) = vpow2.f32 v24  }
0x2a1: {  	v57 =	vpop (erf);
	v30 =	vmul.f32 $7.135481390e-02, v55  }
0x2a2: {  	v58 =	vmul.f32 v26, v6;
	v32 =	vsub.f32 $-1.595769170e+00, v32;
	v33 =	vmul.f32 $7.135481390e-02, v56;
	v59 =	vpop (erf)  }
0x2a3: {  	v26 =	vadd.f32 $1.000000000e+00, v59;
	v30 =	vsub.f32 $-1.595769170e+00, v30;
	v60 =	vpop (erf)  }
0x2a4: {  	v32 =	vmul.f32 v32, v23;
	v33 =	vsub.f32 $-1.595769170e+00, v33;
	v24 =	vmul.f32 v60, v58  }
0x2a5: {  	v34 =	vadd.f32 $1.000000000e+00, v57;
	(erf) = vrcp.f32 v26;
	v61 =	vmul.f32 v30, v28  }
0x2a6: {  	v36 =	vld [tilespmem:s13+$0xFFFFFFE0];
	v62 =	vmul.f32 $1.442695020e+00, v32;
	v63 =	vmul.f32 v33, v27;
	[tilespmem:s13+$0xFFFFFFD0] =	vst v24  }
0x2a7: {  	v22 =	vsub.f32 $-1.595769170e+00, v22;
	(erf) = vrcp.f32 v34;
	v26 =	vmul.f32 $1.442695020e+00, v61;
	v37 =	vld [tilespmem:s17+$0xFFFFFFE0]  }
0x2a8: {  	v39 =	vmul.f32 $1.442695020e+00, v63;
	(erf) = vpow2.f32 v62;
	v38 =	vpop (erf)  }
0x2a9: {  	v22 =	vmul.f32 v22, v21;
	v40 =	vadd.f32 $1.000000000e+00, v38;
	(erf) = vpow2.f32 v26;
	v41 =	vpop (erf)  }
0x2aa: {  	(erf) = vpow2.f32 v39;
	v42 =	vadd.f32 $1.000000000e+00, v41  }
0x2ab: {  	v22 =	vmul.f32 $1.442695020e+00, v22;
	(erf) = vrcp.f32 v40  }
0x2ac: {  	(erf) = vrcp.f32 v42;
	v26 =	vadd.f32 v37, v36  }
0x2ad: {  	v43 =	vmul.f32 v31, v9;
	(erf) = vpow2.f32 v22  }
0x2ae: {  	v44 =	vpop (erf);
	v45 =	vmul.f32 v26, v26  }
0x2af: {  	v22 =	vmul.f32 v44, v43  }
0x2b0: {  	v31 =	vpop (erf);
	v46 =	vmul.f32 $7.135481390e-02, v45  }
0x2b1: {  	v48 =	vld [tilespmem:s18+$0xFFFFFFB0];
	v47 =	vpop (erf);
	[tilespmem:s18+$0xFFFFFFA0] =	vst v22  }
0x2b2: {  	v50 =	vld [tilespmem:s2+$0xFFFFFFB0];
	v49 =	vpop (erf);
	v24 =	vsub.f32 $-1.595769170e+00, v46  }
0x2b3: {  	v51 =	vpop (erf)  }
0x2b4: {  	v53 =	vadd.f32 $1.000000000e+00, v49;
	v52 =	vpop (erf);
	v24 =	vmul.f32 v24, v26  }
0x2b5: {  	v22 =	vpop (erf)  }
0x2b6: {  	(erf) = vrcp.f32 v53;
	v54 =	vpop (erf);
	v24 =	vmul.f32 $1.442695020e+00, v24  }
0x2b7: {  	v32 =	vadd.f32 v50, v48;
	v55 =	vadd.f32 $1.000000000e+00, v54  }
0x2b8: {  	(erf) = vpow2.f32 v24  }
0x2b9: {  	v56 =	vmul.f32 v32, v32;
	(erf) = vrcp.f32 v55;
	_ =	sdelay $0x1  }
0x2ba: {  	v24 =	vmul.f32 $7.135481390e-02, v56;
	_ =	sdelay $0x1  }
0x2bb: {  	v24 =	vsub.f32 $-1.595769170e+00, v24  }
0x2bc: {  	v28 =	vmul.f32 v28, v7  }
0x2bd: {  	v29 =	vmul.f32 v29, v8;
	v58 =	vadd.f32 $1.000000000e+00, v51;
	v24 =	vmul.f32 v24, v32;
	v59 =	vpop (erf)  }
0x2be: {  	v57 =	vmul.f32 v21, v10;
	v30 =	vadd.f32 $1.000000000e+00, v47;
	v28 =	vmul.f32 v59, v28  }
0x2bf: {  	v63 =	vld [tilespmem:s18+$0x60];
	(erf) = vrcp.f32 v58;
	v24 =	vmul.f32 $1.442695020e+00, v24;
	v60 =	vpop (erf)  }
0x2c0: {  	v61 =	vld [tilespmem:s14+$0xFFFFFFD0];
	v29 =	vmul.f32 v52, v29;
	(erf) = vrcp.f32 v30;
	[tilespmem:s14+$0xFFFFFFC0] =	vst v28;
	v62 =	vpop (erf);
	v38 =	vadd.f32 $1.000000000e+00, v60  }
0x2c1: {  	v39 =	vld [tilespmem:s7+$0xFFFFFFD0];
	(erf) = vpow2.f32 v24;
	v21 =	vmul.f32 v62, v57  }
0x2c2: {  	v40 =	vld [tilespmem:s23+$0xFFFFFFA0];
	[tilespmem:s18+$0x50] =	vst v29;
	(erf) = vrcp.f32 v38  }
0x2c3: {  	v29 =	vld [tilespmem:s2+$0x60];
	[tilespmem:s23+$0xFFFFFF90] =	vst v21  }
0x2c4: {  	v41 =	vld [tilespmem:s24+$0xFFFFFFA0];
	_ =	sdelay $0x1  }
0x2c5: {  	v34 =	vadd.f32 v39, v61;
	_ =	sdelay $0x1  }
0x2c6: {  	v28 =	vadd.f32 v29, v63;
	v43 =	vpop (erf);
	v44 =	vmul.f32 v34, v34  }
0x2c7: {  	v42 =	vmul.f32 v27, v11;
	v26 =	vmul.f32 v26, v6;
	v21 =	vpop (erf);
	v29 =	vadd.f32 v41, v40  }
0x2c8: {  	v46 =	vmul.f32 v28, v28;
	v27 =	vmul.f32 $7.135481390e-02, v44;
	v45 =	vpop (erf)  }
0x2c9: {  	v24 =	vmul.f32 v43, v42;
	v47 =	vmul.f32 v29, v29;
	v48 =	vpop (erf)  }
0x2ca: {  	v49 =	vld [tilespmem:s23+$0x50];
	v33 =	vmul.f32 $7.135481390e-02, v46;
	v27 =	vsub.f32 $-1.595769170e+00, v27;
	v26 =	vmul.f32 v48, v26  }
0x2cb: {  	v50 =	vld [tilespmem:s13+$0xFFFFFFF0];
	[tilespmem:s23+$0x40] =	vst v24;
	v30 =	vadd.f32 $1.000000000e+00, v45;
	v24 =	vmul.f32 $7.135481390e-02, v47  }
0x2cc: {  	v33 =	vsub.f32 $-1.595769170e+00, v33;
	v51 =	vld [tilespmem:s24+$0x50];
	v27 =	vmul.f32 v27, v34;
	[tilespmem:s13+$0xFFFFFFE0] =	vst v26  }
0x2cd: {  	(erf) = vrcp.f32 v30;
	v26 =	vld [tilespmem:s17+$0xFFFFFFF0];
	v24 =	vsub.f32 $-1.595769170e+00, v24  }
0x2ce: {  	v33 =	vmul.f32 v33, v28;
	v27 =	vmul.f32 $1.442695020e+00, v27  }
0x2cf: {  	v24 =	vmul.f32 v24, v29  }
0x2d0: {  	v52 =	vmul.f32 $1.442695020e+00, v33;
	(erf) = vpow2.f32 v27  }
0x2d1: {  	v30 =	vadd.f32 v51, v49;
	v53 =	vmul.f32 $1.442695020e+00, v24  }
0x2d2: {  	v25 =	vmul.f32 v25, v4;
	(erf) = vpow2.f32 v52;
	v24 =	vadd.f32 v26, v50  }
0x2d3: {  	v54 =	vmul.f32 v30, v30;
	(erf) = vpow2.f32 v53  }
0x2d4: {  	v25 =	vmul.f32 v31, v25;
	v55 =	vmul.f32 v24, v24  }
0x2d5: {  	v56 =	vmul.f32 v32, v9;
	v26 =	vmul.f32 $7.135481390e-02, v54  }
0x2d6: {  	[tilespmem:s14+$0x60] =	vst v25;
	v57 =	vpop (erf);
	v27 =	vmul.f32 $7.135481390e-02, v55  }
0x2d7: {  	v60 =	vld [tilespmem:s7+$0x70];
	v58 =	vmul.f32 v57, v56;
	v26 =	vsub.f32 $-1.595769170e+00, v26  }
0x2d8: {  	v61 =	vld [tilespmem:s14+$0x70];
	v27 =	vsub.f32 $-1.595769170e+00, v27  }
0x2d9: {  	v40 =	vld [tilespmem:s18+$0xFFFFFFC0];
	[tilespmem:s18+$0xFFFFFFB0] =	vst v58;
	v26 =	vmul.f32 v26, v30;
	v59 =	vpop (erf)  }
0x2da: {  	v42 =	vld [tilespmem:s2+$0xFFFFFFC0];
	v31 =	vadd.f32 $1.000000000e+00, v59;
	v27 =	vmul.f32 v27, v24  }
0x2db: {  	v63 =	vpop (erf);
	v62 =	vmul.f32 $1.442695020e+00, v26  }
0x2dc: {  	(erf) = vrcp.f32 v31;
	v41 =	vpop (erf);
	v27 =	vmul.f32 $1.442695020e+00, v27  }
0x2dd: {  	(erf) = vpow2.f32 v62;
	v43 =	vadd.f32 $1.000000000e+00, v41  }
0x2de: {  	v25 =	vadd.f32 v60, v61;
	(erf) = vpow2.f32 v27  }
0x2df: {  	v44 =	vadd.f32 v42, v40;
	(erf) = vrcp.f32 v43  }
0x2e0: {  	v45 =	vmul.f32 v25, v25  }
0x2e1: {  	v47 =	vmul.f32 v44, v44  }
0x2e2: {  	v31 =	vmul.f32 $7.135481390e-02, v45  }
0x2e3: {  	v33 =	vmul.f32 $7.135481390e-02, v47  }
0x2e4: {  	v46 =	vmul.f32 v34, v7;
	v31 =	vsub.f32 $-1.595769170e+00, v31  }
0x2e5: {  	v33 =	vsub.f32 $-1.595769170e+00, v33;
	v48 =	vpop (erf)  }
0x2e6: {  	v26 =	vadd.f32 $1.000000000e+00, v63;
	v31 =	vmul.f32 v31, v25;
	v32 =	vmul.f32 v48, v46;
	v49 =	vpop (erf)  }
0x2e7: {  	v29 =	vmul.f32 v29, v10;
	v53 =	vmul.f32 v33, v44;
	v50 =	vpop (erf)  }
0x2e8: {  	v52 =	vld [tilespmem:s14+$0xFFFFFFE0];
	v31 =	vmul.f32 $1.442695020e+00, v31;
	(erf) = vrcp.f32 v26;
	[tilespmem:s14+$0xFFFFFFD0] =	vst v32;
	v51 =	vpop (erf)  }
0x2e9: {  	v55 =	vmul.f32 $1.442695020e+00, v53;
	v54 =	vld [tilespmem:s7+$0xFFFFFFE0];
	v29 =	vmul.f32 v51, v29  }
0x2ea: {  	(erf) = vpow2.f32 v31  }
0x2eb: {  	v56 =	vld [tilespmem:s23+$0xFFFFFFB0];
	(erf) = vpow2.f32 v55;
	[tilespmem:s23+$0xFFFFFFA0] =	vst v29  }
0x2ec: {  	v57 =	vld [tilespmem:s24+$0xFFFFFFB0];
	_ =	sdelay $0x1  }
0x2ed: {  	v58 =	vadd.f32 v54, v52;
	_ =	sdelay $0x1  }
0x2ee: {  	v59 =	vmul.f32 v58, v58  }
0x2ef: {  	v29 =	vadd.f32 v57, v56  }
0x2f0: {  	v60 =	vpop (erf);
	v26 =	vmul.f32 $7.135481390e-02, v59  }
0x2f1: {  	v34 =	vadd.f32 $1.000000000e+00, v49;
	v61 =	vpop (erf);
	v31 =	vmul.f32 v29, v29  }
0x2f2: {  	v35 =	vadd.f32 $1.000000000e+00, v50;
	v26 =	vsub.f32 $-1.595769170e+00, v26;
	v62 =	vpop (erf)  }
0x2f3: {  	(erf) = vrcp.f32 v34;
	v63 =	vadd.f32 $1.000000000e+00, v62;
	v31 =	vmul.f32 $7.135481390e-02, v31  }
0x2f4: {  	(erf) = vrcp.f32 v35;
	v26 =	vmul.f32 v26, v58  }
0x2f5: {  	(erf) = vrcp.f32 v63;
	v31 =	vsub.f32 $-1.595769170e+00, v31  }
0x2f6: {  	v26 =	vmul.f32 $1.442695020e+00, v26  }
0x2f7: {  	v31 =	vmul.f32 v31, v29  }
0x2f8: {  	v37 =	vadd.f32 $1.000000000e+00, v61;
	(erf) = vpow2.f32 v26  }
0x2f9: {  	v38 =	vmul.f32 $1.442695020e+00, v31  }
0x2fa: {  	(erf) = vrcp.f32 v37  }
0x2fb: {  	(erf) = vpow2.f32 v38  }
0x2fc: {  	v39 =	vpop (erf)  }
0x2fd: {  	v27 =	vmul.f32 v44, v9;
	v26 =	vpop (erf)  }
0x2fe: {  	v40 =	vpop (erf)  }
0x2ff: {  	v27 =	vmul.f32 v40, v27;
	_ =	sdelay $0x1  }
0x300: {  	v30 =	vmul.f32 v30, v11;
	v41 =	vpop (erf)  }
0x301: {  	v34 =	vadd.f32 $1.000000000e+00, v41  }
0x302: {  	v42 =	vld [tilespmem:s18+$0xFFFFFFD0];
	v30 =	vmul.f32 v39, v30;
	[tilespmem:s18+$0xFFFFFFC0] =	vst v27;
	v27 =	vpop (erf)  }
0x303: {  	v43 =	vld [tilespmem:s2+$0xFFFFFFD0];
	(erf) = vrcp.f32 v34;
	v44 =	vpop (erf)  }
0x304: {  	v45 =	vld [tilespmem:s23+$0x60];
	[tilespmem:s23+$0x50] =	vst v30;
	v34 =	vadd.f32 $1.000000000e+00, v44  }
0x305: {  	v30 =	vld [tilespmem:s24+$0x60]  }
0x306: {  	(erf) = vrcp.f32 v34;
	_ =	sdelay $0x1  }
0x307: {  	v31 =	vadd.f32 v43, v42;
	_ =	sdelay $0x1  }
0x308: {  	v30 =	vadd.f32 v30, v45;
	v46 =	vmul.f32 v31, v31  }
0x309: {  	v28 =	vmul.f32 v28, v8;
	v32 =	vmul.f32 v58, v7  }
0x30a: {  	v36 =	vmul.f32 v30, v30;
	v34 =	vmul.f32 $7.135481390e-02, v46;
	v47 =	vpop (erf)  }
0x30b: {  	v28 =	vmul.f32 v60, v28;
	v32 =	vmul.f32 v47, v32  }
0x30c: {  	v48 =	vld [tilespmem:s14+$0xFFFFFFF0];
	v29 =	vmul.f32 v29, v10;
	v49 =	vmul.f32 $7.135481390e-02, v36;
	v34 =	vsub.f32 $-1.595769170e+00, v34  }
0x30d: {  	v59 =	vld [tilespmem:s23+$0xFFFFFFC0];
	[tilespmem:s14+$0xFFFFFFE0] =	vst v32;
	v50 =	vpop (erf)  }
0x30e: {  	[tilespmem:s18+$0x60] =	vst v28;
	v55 =	vsub.f32 $-1.595769170e+00, v49;
	v54 =	vmul.f32 v34, v31;
	v51 =	vld [tilespmem:s7+$0xFFFFFFF0];
	v52 =	vmul.f32 v50, v29  }
0x30f: {  	v53 =	vld [tilespmem:s2+$0x70]  }
0x310: {  	v56 =	vld [tilespmem:s18+$0x70];
	v58 =	vmul.f32 v55, v30;
	v57 =	vmul.f32 $1.442695020e+00, v54;
	[tilespmem:s23+$0xFFFFFFB0] =	vst v52  }
0x311: {  	v60 =	vld [tilespmem:s24+$0xFFFFFFC0]  }
0x312: {  	v61 =	vmul.f32 $1.442695020e+00, v58;
	(erf) = vpow2.f32 v57  }
0x313: {  	v29 =	vadd.f32 v51, v48  }
0x314: {  	(erf) = vpow2.f32 v61  }
0x315: {  	v28 =	vadd.f32 v53, v56;
	v62 =	vmul.f32 v29, v29  }
0x316: {  	v63 =	vadd.f32 v60, v59  }
0x317: {  	v38 =	vmul.f32 v28, v28;
	v32 =	vmul.f32 $7.135481390e-02, v62  }
0x318: {  	v39 =	vmul.f32 v63, v63  }
0x319: {  	v34 =	vmul.f32 $7.135481390e-02, v38;
	v32 =	vsub.f32 $-1.595769170e+00, v32  }
0x31a: {  	v35 =	vmul.f32 $7.135481390e-02, v39  }
0x31b: {  	v34 =	vsub.f32 $-1.595769170e+00, v34;
	v40 =	vpop (erf);
	v32 =	vmul.f32 v32, v29  }
0x31c: {  	v36 =	vadd.f32 $1.000000000e+00, v40;
	v35 =	vsub.f32 $-1.595769170e+00, v35  }
0x31d: {  	v34 =	vmul.f32 v34, v28;
	v41 =	vpop (erf);
	v32 =	vmul.f32 $1.442695020e+00, v32  }
0x31e: {  	v42 =	vadd.f32 $1.000000000e+00, v41;
	(erf) = vrcp.f32 v36;
	v35 =	vmul.f32 v35, v63  }
0x31f: {  	v34 =	vmul.f32 $1.442695020e+00, v34;
	(erf) = vpow2.f32 v32  }
0x320: {  	(erf) = vrcp.f32 v42;
	v43 =	vmul.f32 $1.442695020e+00, v35  }
0x321: {  	(erf) = vpow2.f32 v34  }
0x322: {  	(erf) = vpow2.f32 v43;
	_ =	sdelay $0x4  }
0x323: {  	v44 =	vpop (erf)  }
0x324: {  	v45 =	vpop (erf)  }
0x325: {  	v31 =	vmul.f32 v31, v9;
	v46 =	vpop (erf)  }
0x326: {  	v47 =	vpop (erf)  }
0x327: {  	v31 =	vmul.f32 v44, v31;
	v34 =	vadd.f32 $1.000000000e+00, v45;
	v48 =	vpop (erf)  }
0x328: {  	v49 =	vadd.f32 $1.000000000e+00, v48  }
0x329: {  	v50 =	vld [tilespmem:s18+$0xFFFFFFE0];
	[tilespmem:s18+$0xFFFFFFD0] =	vst v31;
	(erf) = vrcp.f32 v34  }
0x32a: {  	v51 =	vld [tilespmem:s2+$0xFFFFFFE0];
	(erf) = vrcp.f32 v49;
	_ =	sdelay $0x4  }
0x32b: {  	v52 =	vadd.f32 v51, v50;
	_ =	sdelay $0x1  }
0x32c: {  	v34 =	vmul.f32 v52, v52  }
0x32d: {  	v33 =	vmul.f32 v63, v10;
	v36 =	vpop (erf)  }
0x32e: {  	v34 =	vmul.f32 $7.135481390e-02, v34;
	v53 =	vpop (erf)  }
0x32f: {  	v33 =	vmul.f32 v53, v33  }
0x330: {  	v34 =	vsub.f32 $-1.595769170e+00, v34  }
0x331: {  	v54 =	vld [tilespmem:s23+$0xFFFFFFD0];
	[tilespmem:s23+$0xFFFFFFC0] =	vst v33  }
0x332: {  	v55 =	vmul.f32 v34, v52;
	v56 =	vld [tilespmem:s24+$0xFFFFFFD0];
	_ =	sdelay $0x1  }
0x333: {  	v33 =	vmul.f32 $1.442695020e+00, v55;
	_ =	sdelay $0x1  }
0x334: {  	(erf) = vpow2.f32 v33  }
0x335: {  	v57 =	vadd.f32 v56, v54;
	_ =	sdelay $0x1  }
0x336: {  	v34 =	vmul.f32 v57, v57;
	_ =	sdelay $0x1  }
0x337: {  	v34 =	vmul.f32 $7.135481390e-02, v34;
	_ =	sdelay $0x1  }
0x338: {  	v34 =	vsub.f32 $-1.595769170e+00, v34;
	_ =	sdelay $0x1  }
0x339: {  	v32 =	vadd.f32 $1.000000000e+00, v47;
	v58 =	vpop (erf);
	v34 =	vmul.f32 v34, v57  }
0x33a: {  	v37 =	vadd.f32 $1.000000000e+00, v58  }
0x33b: {  	(erf) = vrcp.f32 v32;
	v59 =	vmul.f32 $1.442695020e+00, v34  }
0x33c: {  	(erf) = vrcp.f32 v37  }
0x33d: {  	(erf) = vpow2.f32 v59;
	_ =	sdelay $0x6  }
0x33e: {  	v31 =	vmul.f32 v52, v9;
	v32 =	vpop (erf)  }
0x33f: {  	v60 =	vpop (erf)  }
0x340: {  	v31 =	vmul.f32 v60, v31;
	v61 =	vpop (erf)  }
0x341: {  	v62 =	vadd.f32 $1.000000000e+00, v61  }
0x342: {  	v63 =	vld [tilespmem:s18+$0xFFFFFFF0];
	[tilespmem:s18+$0xFFFFFFE0] =	vst v31  }
0x343: {  	v31 =	vld [tilespmem:s2+$0xFFFFFFF0];
	(erf) = vrcp.f32 v62;
	_ =	sdelay $0x4  }
0x344: {  	v31 =	vadd.f32 v31, v63  }
0x345: {  	v30 =	vmul.f32 v30, v11  }
0x346: {  	v40 =	vmul.f32 v31, v31  }
0x347: {  	v30 =	vmul.f32 v46, v30;
	v33 =	vmul.f32 v57, v10  }
0x348: {  	v42 =	vmul.f32 $7.135481390e-02, v40;
	v41 =	vpop (erf)  }
0x349: {  	v44 =	vld [tilespmem:s23+$0x70];
	[tilespmem:s23+$0x60] =	vst v30;
	v33 =	vmul.f32 v41, v33  }
0x34a: {  	v43 =	vld [tilespmem:s24+$0x70];
	v30 =	vsub.f32 $-1.595769170e+00, v42  }
0x34b: {  	v45 =	vld [tilespmem:s23+$0xFFFFFFE0];
	[tilespmem:s23+$0xFFFFFFD0] =	vst v33  }
0x34c: {  	v30 =	vmul.f32 v30, v31;
	v46 =	vld [tilespmem:s24+$0xFFFFFFE0];
	_ =	sdelay $0x1  }
0x34d: {  	v30 =	vmul.f32 $1.442695020e+00, v30  }
0x34e: {  	v34 =	vadd.f32 v43, v44  }
0x34f: {  	(erf) = vpow2.f32 v30  }
0x350: {  	v47 =	vmul.f32 v34, v34;
	v33 =	vadd.f32 v46, v45;
	_ =	sdelay $0x1  }
0x351: {  	v30 =	vmul.f32 $7.135481390e-02, v47;
	v48 =	vmul.f32 v33, v33;
	_ =	sdelay $0x1  }
0x352: {  	v30 =	vsub.f32 $-1.595769170e+00, v30;
	v35 =	vmul.f32 $7.135481390e-02, v48;
	_ =	sdelay $0x1  }
0x353: {  	v30 =	vmul.f32 v30, v34;
	v35 =	vsub.f32 $-1.595769170e+00, v35;
	_ =	sdelay $0x1  }
0x354: {  	v30 =	vmul.f32 $1.442695020e+00, v30;
	v49 =	vpop (erf);
	v35 =	vmul.f32 v35, v33  }
0x355: {  	v37 =	vadd.f32 $1.000000000e+00, v49  }
0x356: {  	(erf) = vpow2.f32 v30;
	v50 =	vmul.f32 $1.442695020e+00, v35  }
0x357: {  	(erf) = vrcp.f32 v37  }
0x358: {  	(erf) = vpow2.f32 v50;
	_ =	sdelay $0x6  }
0x359: {  	v51 =	vpop (erf)  }
0x35a: {  	v52 =	vpop (erf)  }
0x35b: {  	v30 =	vadd.f32 $1.000000000e+00, v51;
	v53 =	vpop (erf)  }
0x35c: {  	v37 =	vadd.f32 $1.000000000e+00, v53  }
0x35d: {  	(erf) = vrcp.f32 v30  }
0x35e: {  	(erf) = vrcp.f32 v37;
	_ =	sdelay $0x7  }
0x35f: {  	v54 =	vmul.f32 v33, v10;
	v55 =	vpop (erf)  }
0x360: {  	v37 =	vpop (erf)  }
0x361: {  	v30 =	vmul.f32 v37, v54;
	_ =	sdelay $0x1  }
0x362: {  	v56 =	vld [tilespmem:s23+$0xFFFFFFF0];
	[tilespmem:s23+$0xFFFFFFE0] =	vst v30  }
0x363: {  	v30 =	vld [tilespmem:s24+$0xFFFFFFF0];
	_ =	sdelay $0x4  }
0x364: {  	v30 =	vadd.f32 v30, v56;
	_ =	sdelay $0x1  }
0x365: {  	v37 =	vmul.f32 v30, v30;
	_ =	sdelay $0x1  }
0x366: {  	v37 =	vmul.f32 $7.135481390e-02, v37;
	_ =	sdelay $0x1  }
0x367: {  	v37 =	vsub.f32 $-1.595769170e+00, v37;
	_ =	sdelay $0x1  }
0x368: {  	v37 =	vmul.f32 v37, v30;
	_ =	sdelay $0x1  }
0x369: {  	v37 =	vmul.f32 $1.442695020e+00, v37;
	_ =	sdelay $0x1  }
0x36a: {  	(erf) = vpow2.f32 v37;
	_ =	sdelay $0x7  }
0x36b: {  	v3 =	vmul.f32 v20, v3  }
0x36c: {  	v1 =	vmul.f32 v19, v1;
	v57 =	vpop (erf)  }
0x36d: {  	v13 =	vmul.f32 v16, v13;
	v3 =	vmul.f32 v14, v3;
	v58 =	vadd.f32 $1.000000000e+00, v57  }
0x36e: {  	v2 =	vmul.f32 v23, v2;
	v1 =	vmul.f32 v15, v1  }
0x36f: {  	[tilespmem:s10+$0xFFFFFFF0] =	vst v13;
	v59 =	vmul.f32 v18, v5;
	(erf) = vrcp.f32 v58  }
0x370: {  	v12 =	vmul.f32 v17, v12;
	[tilespmem:s11+$0xFFFFFFF0] =	vst v3;
	v2 =	vmul.f32 v21, v2  }
0x371: {  	[tilespmem:s12+$0x70] =	vst v1;
	v3 =	vmul.f32 v22, v59;
	v60 =	vmul.f32 v24, v6  }
0x372: {  	[tilespmem:s13+$0x70] =	vst v2;
	v1 =	vmul.f32 v25, v4;
	v2 =	vmul.f32 v28, v8  }
0x373: {  	[tilespmem:s12+$0xFFFFFFF0] =	vst v3;
	v3 =	vmul.f32 v26, v60;
	v61 =	vmul.f32 v29, v7  }
0x374: {  	[tilespmem:s11+$0x70] =	vst v12;
	v1 =	vmul.f32 v27, v1;
	v2 =	vmul.f32 v32, v2  }
0x375: {  	[tilespmem:s13+$0xFFFFFFF0] =	vst v3;
	v3 =	vmul.f32 v36, v61;
	v62 =	vmul.f32 v31, v9  }
0x376: {  	[tilespmem:s14+$0x70] =	vst v1;
	v1 =	vmul.f32 v34, v11  }
0x377: {  	[tilespmem:s14+$0xFFFFFFF0] =	vst v3;
	v3 =	vmul.f32 v52, v62;
	v63 =	vmul.f32 v30, v10  }
0x378: {  	[tilespmem:s18+$0x70] =	vst v2;
	v1 =	vmul.f32 v55, v1;
	v2 =	vpop (erf)  }
0x379: {  	[tilespmem:s18+$0xFFFFFFF0] =	vst v3;
	v2 =	vmul.f32 v2, v63  }
0x37a: {  	[tilespmem:s23+$0x70] =	vst v1  }
0x37b: {  	s1 =	sadd.s32 $0x1, s1;
	[tilespmem:s23+$0xFFFFFFF0] =	vst v2  }
0x37c: {  	s21 =	simm.s32 $0x14900;
	s17 =	sshll.u32 s1, $0xB;
	s18 =	rddreg [dreg:$0xf]  }
0x37d: {  	s22 =	sshll.u32 s1, $0x8;
	s23 =	rddreg [dreg:$0xe];
	s2 =	sadd.s32 s17, s18  }
0x37e: {  	[tilespmem:s21], [sflag:$0x3] =	stream.linear.gather [hbm4b:s2+s4], $0x4000, $0x38;
	[tilespmem:$0x1C900] =	vst v63  }
0x37f: {  	s24 =	simm.s32 $0x14100;
	s2 =	sadd.s32 s22, s23  }
0x380: {  	[tilespmem:s24], [sflag:$0x3] =	stream.linear.gather [hbm4b:s2+s4], $0x800, $0x38;
	[tilespmem:$0x1C900] =	vst v63  }
0x381: {  	_ =	swait.ge [sflag:s30], $0x80  }
0x382: {  	[sflag:s30] =	ssyncset.done $0x0  }
0x383: {  	s5 =	simm.s32 $0x14080;
	[sflag:s30] =	ssyncadd.s32 $0xFFFFFF80  }
0x384: {  	p0 =	sne.s32 s1, $0x50;
	s7 =	simm.s32 $0x80;
	s26 =	rddreg [dreg:$0x2]  }
0x385: {  	[spmem:s26] =	stream.indirect.scatter.add.f32 [tilespmem:s19], [sflag:$0x5], $0x80, s5, s7, $0xb8;
	[tilespmem:$0x1C900] =	vst v63  }
.Ltmp2:
0x386: {  	_ = 	snop;
	(pc) =	sbr.rel @p0 .LBB2_4-.Ltmp2, $4  }
0x387: {  	_ =	swait.ge [sflag:s20], $0x4000  }
0x388: {  	[sflag:s20] =	ssyncset.done $0x0;
	s31 =	rddreg [dreg:$0x5]  }
0x389: {  	s3 =	simm.s32 $0x14080;
	[sflag:s20] =	ssyncadd.s32 $0xFFFFC000;
	s2 =	sadd.s32 s31, s9  }
0x38a: {  	[tilespmem:s5], [sflag:$0x2] =	stream.linear.gather [hbm4b:s2+s4], $0x80, $0x38;
	[tilespmem:$0x1C900] =	vst v63  }
0x38b: {  	_ =	swait.ge [sflag:s25], $0x80  }
0x38c: {  	[sflag:s25] =	ssyncset.done $0x0  }
0x38d: {  	[sflag:s25] =	ssyncadd.s32 $0xFFFFFF80  }
0x38e: {  	_ =	swait.ge [sflag:s30], $0x80  }
0x38f: {  	[sflag:s30] =	ssyncset.done $0x0  }
0x390: {  	[sflag:s30] =	ssyncadd.s32 $0xFFFFFF80  }
0x391: {  	_ =	swait.ge [sflag:s29], $0x4000  }
0x392: {  	[sflag:s29] =	ssyncset.done $0x0  }
0x393: {  	[sflag:s29] =	ssyncadd.s32 $0xFFFFC000  }
0x394: {  	_ =	swait.ge [sflag:s29], $0x800  }
0x395: {  	[sflag:s29] =	ssyncset.done $0x0  }
0x396: {  	[sflag:s29] =	ssyncadd.s32 $0xFFFFF800  }
0x397: {  	s0 =	stileid.u32;
	[bflag:$0x0] =	sbarrier.arrive $0xFFFF  }
0x398: {  	s0 =	sshll.u32 s0, $0x6;
	s6 =	rddreg [dreg:$0x6]  }
0x399: {  	s0 =	sor.u32 $0x1C05, s0;
	s2 =	rddreg [dreg:$0x10];
	s1 =	sshrl.u32 s6, $0x3  }
0x39a: {  	[hbm:s2], [sflag:s0] =	dma.local [spmem:s1], $0x2800  }
0x39b: {  	_ =	swait.ge [sflag:s20], $0x2800  }
0x39c: {  	s26 =	rddreg [dreg:$0x12]  }
0x39d: {  	s31 =	rddreg [dreg:$0x11];
	s1 =	sadd.s32 $0x1, s26  }
0x39e: {  	p0 =	sne.s32 s1, s31  }
.Ltmp3:
0x39f: {  	_ = 	snop;
	(pc) =	sbr.rel @p0 .LBB2_1-.Ltmp3, $3  }
0x3a0: {  	_ =	sdelay $0x1  }
0x3a1: {  	[sflag:s20] =	ssyncset.done $0x0  }
0x3a2: {  	[sflag:s20] =	ssyncadd.s32 $0xFFFFD800  }
0x3a3: {  	_ =	sfence.sel $0x180000  }
0x3a4: {  	[bflag:$0x0] =	sbarrier.arrive $0xFFFF  }
0x3a5: {  	_ =	strace $0x90000047  }
0x3a6: {  	s0 =	stileid.u32;
	[bflag:$0x2] =	sbarrier.arrive $0xFFFF  }
0x3a7: {  	p0 =	sne.s32 s0, $0x0;
	s0 =	rddreg [dreg:$0x3]  }
0x3a8: {  	s0 =	sadd.s32 @!p0 $0x100000, s0  }
0x3a9: {  	[sflag:s0] =	ssyncadd.tile.s32 @!p0 $0x1;
	_ =	shalt  }
.Lfunc_end2:
_tile_overlayer_lowered:
.L_overlay_start_2:
0x3aa: {  	(tag) =	ssettag $0x2  }
0x3ab: {  	s0 =	rddreg [dreg:$0x0];
	s2 =	stileid.u32  }
0x3ac: {  	s1 =	rddreg [dreg:$0x1];
	p0 =	sne.s32 s2, $0x0  }
0x3ad: {  	s3 =	rddreg [dreg:$0x2];
	[bflag:$0x3] =	sbarrier.arrive $0xFFFF;
	s2 =	simm.s32 @!p0 $0x1C05  }
0x3ae: {  	[timem:s3], [sflag:s2] =	dma.local @!p0 [hbm:s0], s1  }
0x3af: {  	s0 =	simm.s32 @!p0 $0x5  }
0x3b0: {  	_ =	swait.ge @!p0 [sflag:s0], s1  }
0x3b1: {  	s1 =	ssub.s32 @!p0 $0x0, s1;
	[sflag:s0] =	ssyncset.done @!p0 $0x0  }
0x3b2: {  	[sflag:s0] =	ssyncadd.s32 @!p0 s1  }
0x3b3: {  	[bflag:$0x3] =	sbarrier.arrive $0xFFFF  }
0x3b4: {  	_ =	shalt  }

</sc_bundles>
